<compile_context>
chip_gen: v7x
topology: tpu7x:2x2x1
jax: 0.10.2.dev20260603
libtpu: 0.0.44.dev20260713+nightly
codegen_flags: <defaults>
</compile_context>

<pallas_src>
import functools

import jax
import jax.numpy as jnp
from jax import lax
from jax.experimental import pallas as pl
from jax.experimental.pallas import tpu as pltpu
from jax.experimental.pallas import tpu_sc as plsc

N_NODES = 10000
N_PAD = 10240
N_EDGES = 320000
D = 128

NC = 2
NS = 16
NW = NC * NS
EBLK = 80
NBLK_TILE = N_EDGES // (NW * EBLK)
ROWS_TILE = N_PAD // NS
NBUF = 3
NIBUF = 4

_sc_mesh = plsc.VectorSubcoreMesh(
    core_axis_name="c", subcore_axis_name="s", num_cores=NC, num_subcores=NS)


@functools.partial(
    pl.kernel,
    out_type=jax.ShapeDtypeStruct((NC, N_PAD), jnp.float32),
    mesh=_sc_mesh,
    scratch_types=[
        pltpu.VMEM((NBLK_TILE, EBLK), jnp.int32),
        pltpu.VMEM((EBLK,), jnp.float32),
        pltpu.VMEM_SHARED((N_PAD,), jnp.float32),
        pltpu.SemaphoreType.DMA((NBUF,)),
    ],
)
def _deg_kernel(didx_hbm, ones_hbm, zerod_hbm, out_hbm, didx_v, ones_v,
                deg_sh, ssem):
    c = lax.axis_index("c")
    s = lax.axis_index("s")
    wid = c * NS + s
    pltpu.sync_copy(zerod_hbm, deg_sh.at[pl.ds(s * ROWS_TILE, ROWS_TILE)])
    pltpu.sync_copy(ones_hbm, ones_v)
    pltpu.sync_copy(didx_hbm.at[wid], didx_v)
    plsc.subcore_barrier()

    @pl.loop(0, NBLK_TILE)
    def _(j):
        @pl.when(j >= NBUF)
        def _():
            slot = lax.rem(j, NBUF)
            pltpu.make_async_copy(
                ones_v, deg_sh.at[didx_v.at[j - NBUF]], ssem.at[slot]).wait()

        pltpu.async_copy(ones_v, deg_sh.at[didx_v.at[j]],
                         ssem.at[lax.rem(j, NBUF)], add=True)

    for _j in range(NBLK_TILE - NBUF, NBLK_TILE):
        pltpu.make_async_copy(
            ones_v, deg_sh.at[didx_v.at[_j]], ssem.at[_j % NBUF]).wait()

    plsc.subcore_barrier()
    pltpu.sync_copy(
        deg_sh.at[pl.ds(s * ROWS_TILE, ROWS_TILE)],
        out_hbm.at[c, pl.ds(s * ROWS_TILE, ROWS_TILE)],
    )


@functools.partial(
    pl.kernel,
    out_type=jax.ShapeDtypeStruct((NC, N_PAD, D), jnp.float32),
    mesh=_sc_mesh,
    scratch_types=[
        pltpu.VMEM((NIBUF, EBLK), jnp.int32),
        pltpu.VMEM((NIBUF, EBLK), jnp.int32),
        pltpu.VMEM((NBUF, EBLK, D), jnp.float32),
        pltpu.VMEM_SHARED((N_PAD, D), jnp.float32),
        pltpu.SemaphoreType.DMA((NIBUF,)),
        pltpu.SemaphoreType.DMA((NIBUF,)),
        pltpu.SemaphoreType.DMA((NBUF,)),
        pltpu.SemaphoreType.DMA((NBUF,)),
    ],
)
def _agg_kernel(g_hbm, sidx_hbm, didx_hbm, zeros_hbm, out_hbm,
                sidx_v, didx_v, rows_v, s_sh, sisem, disem, gsem, ssem):
    c = lax.axis_index("c")
    s = lax.axis_index("s")
    wid = c * NS + s
    pltpu.sync_copy(zeros_hbm, s_sh.at[pl.ds(s * ROWS_TILE, ROWS_TILE)])

    def idx_start(j):
        bi = jnp.bitwise_and(j, NIBUF - 1)
        pltpu.async_copy(sidx_hbm.at[wid, j], sidx_v.at[bi], sisem.at[bi])
        pltpu.async_copy(didx_hbm.at[wid, j], didx_v.at[bi], disem.at[bi])

    def gather_start(j, slot):
        bi = jnp.bitwise_and(j, NIBUF - 1)
        pltpu.make_async_copy(
            sidx_hbm.at[wid, j], sidx_v.at[bi], sisem.at[bi]).wait()
        pltpu.async_copy(g_hbm.at[sidx_v.at[bi]], rows_v.at[slot],
                         gsem.at[slot])

    idx_start(0)
    idx_start(1)
    idx_start(2)
    gather_start(0, 0)
    gather_start(1, 1)
    plsc.subcore_barrier()

    @pl.loop(0, NBLK_TILE)
    def _(j):
        @pl.when(j >= 1)
        def _():
            slot = lax.rem(j + 2, NBUF)
            bo = jnp.bitwise_and(j - 1, NIBUF - 1)
            pltpu.make_async_copy(
                rows_v.at[slot], s_sh.at[didx_v.at[bo]], ssem.at[slot]
            ).wait()

        @pl.when(j + 3 < NBLK_TILE)
        def _():
            idx_start(j + 3)

        @pl.when(j + 2 < NBLK_TILE)
        def _():
            gather_start(j + 2, lax.rem(j + 2, NBUF))

        b = lax.rem(j, NBUF)
        bi = jnp.bitwise_and(j, NIBUF - 1)
        pltpu.make_async_copy(
            g_hbm.at[sidx_v.at[bi]], rows_v.at[b], gsem.at[b]).wait()
        pltpu.make_async_copy(
            didx_hbm.at[wid, j], didx_v.at[bi], disem.at[bi]).wait()
        pltpu.async_copy(rows_v.at[b], s_sh.at[didx_v.at[bi]], ssem.at[b],
                         add=True)

    _j = NBLK_TILE - 1
    pltpu.make_async_copy(
        rows_v.at[_j % NBUF], s_sh.at[didx_v.at[_j % NIBUF]],
        ssem.at[_j % NBUF]).wait()

    plsc.subcore_barrier()
    pltpu.sync_copy(
        s_sh.at[pl.ds(s * ROWS_TILE, ROWS_TILE)],
        out_hbm.at[c, pl.ds(s * ROWS_TILE, ROWS_TILE)],
    )


RBLK = 1000


def _dinv(deg_ref):
    return lax.rsqrt(deg_ref[0] + deg_ref[1] + 1.0)


def _tc_first_body(x_ref, w_ref, deg_ref, o_ref):
    h = jnp.dot(x_ref[...], w_ref[...], preferred_element_type=jnp.float32)
    o_ref[...] = h * _dinv(deg_ref)


def _tc_mid_body(s_ref, g_ref, deg_ref, b_ref, w_ref, o_ref):
    dinv = _dinv(deg_ref)
    t = (s_ref[0] + s_ref[1] + g_ref[...]) * dinv + b_ref[...]
    t = jnp.maximum(t, 0.0)
    o_ref[...] = jnp.dot(t, w_ref[...], preferred_element_type=jnp.float32) * dinv


def _tc_last_body(s_ref, g_ref, deg_ref, b_ref, o_ref):
    o_ref[...] = (s_ref[0] + s_ref[1] + g_ref[...]) * _dinv(deg_ref) + b_ref[...]


_row_spec = pl.BlockSpec((RBLK, D), lambda i: (i, 0))
_deg_spec = pl.BlockSpec((NC, RBLK, 1), lambda i: (0, i, 0))
_part_spec = pl.BlockSpec((NC, RBLK, D), lambda i: (0, i, 0))
_w_spec = pl.BlockSpec((D, D), lambda i: (0, 0))
_b_spec = pl.BlockSpec((1, D), lambda i: (0, 0))
_out_shape = jax.ShapeDtypeStruct((N_NODES, D), jnp.float32)
_grid = (N_NODES // RBLK,)

_tc_first = pl.pallas_call(
    _tc_first_body, grid=_grid, out_shape=_out_shape,
    in_specs=[_row_spec, _w_spec, _deg_spec], out_specs=_row_spec)

_tc_mid = pl.pallas_call(
    _tc_mid_body, grid=_grid, out_shape=_out_shape,
    in_specs=[_part_spec, _row_spec, _deg_spec, _b_spec, _w_spec],
    out_specs=_row_spec)

_tc_last = pl.pallas_call(
    _tc_last_body, grid=_grid, out_shape=_out_shape,
    in_specs=[_part_spec, _row_spec, _deg_spec, _b_spec],
    out_specs=_row_spec)


@jax.jit
def kernel(x, edge_index, W1, b1, W2, b2):
    src = edge_index[0].astype(jnp.int32).reshape(NW, NBLK_TILE, EBLK)
    dst = edge_index[1].astype(jnp.int32).reshape(NW, NBLK_TILE, EBLK)
    ones = jnp.ones((EBLK,), jnp.float32)
    zerod = jnp.zeros((ROWS_TILE,), jnp.float32)
    zeros2d = jnp.zeros((ROWS_TILE, D), jnp.float32)
    b1r = b1.reshape(1, D)
    b2r = b2.reshape(1, D)

    deg = _deg_kernel(dst, ones, zerod)
    deg = deg.reshape(NC, N_PAD, 1)
    g1 = _tc_first(x, W1, deg)
    s1 = _agg_kernel(g1, src, dst, zeros2d)
    g2 = _tc_mid(s1, g1, deg, b1r, W2)
    s2 = _agg_kernel(g2, src, dst, zeros2d)
    return _tc_last(s2, g2, deg, b2r)

# --- scband reference (transcript-rebuilt; emitter-appended) ---
"""Pipeline reference for scband-simple-gcnencoder-25520695672874 (READ-ONLY COPY).

The authoritative reference and input builder live on the scoring server;
editing this copy changes nothing except your own understanding.
"""

import jax, jax.numpy as jnp
import numpy as np

N_NODES = 10000
N_EDGES = 320000
D_IN = 128
D_HID = 128
D_OUT = 128


def setup_inputs(seed: int = 0) -> dict:
    key = jax.random.key(seed)
    k1, k2, k3, k4, k5, k6 = jax.random.split(key, 6)
    x = jax.random.normal(k1, (N_NODES, D_IN), dtype=jnp.float32)
    edge_index = jax.random.randint(k2, (2, N_EDGES), 0, N_NODES, dtype=jnp.int64)
    # GCNConv weights (glorot) and biases (zeros, matching PyG defaults)
    lim1 = float(np.sqrt(6.0 / (D_IN + D_HID)))
    W1 = jax.random.uniform(k3, (D_IN, D_HID), minval=-lim1, maxval=lim1, dtype=jnp.float32)
    b1 = jnp.zeros((D_HID,), dtype=jnp.float32)
    lim2 = float(np.sqrt(6.0 / (D_HID + D_OUT)))
    W2 = jax.random.uniform(k4, (D_HID, D_OUT), minval=-lim2, maxval=lim2, dtype=jnp.float32)
    b2 = jnp.zeros((D_OUT,), dtype=jnp.float32)
    return {"x": x, "edge_index": edge_index, "W1": W1, "b1": b1, "W2": W2, "b2": b2}


def _gcn_conv(x, edge_index, W, b, num_nodes):
    # PyG GCNConv: add self-loops, symmetric normalization, linear, scatter-add aggregate, bias
    loop = jnp.arange(num_nodes, dtype=edge_index.dtype)
    src = jnp.concatenate([edge_index[0], loop])
    dst = jnp.concatenate([edge_index[1], loop])
    deg = jnp.zeros((num_nodes,), dtype=x.dtype).at[dst].add(1.0)
    deg_inv_sqrt = jnp.where(deg > 0, deg ** -0.5, 0.0)
    norm = deg_inv_sqrt[src] * deg_inv_sqrt[dst]
    h = x @ W
    msg = h[src] * norm[:, None]
    out = jnp.zeros((num_nodes, W.shape[1]), dtype=x.dtype).at[dst].add(msg)
    return out + b


def reference(x, edge_index, W1, b1, W2, b2):
    h = _gcn_conv(x, edge_index, W1, b1, N_NODES)
    h = jax.nn.relu(h)
    # dropout p=0.5 is identity in eval mode (self.training=False)
    out = _gcn_conv(h, edge_index, W2, b2, N_NODES)
    return out

if __name__ == "__main__":
    import jax
    _d = setup_inputs()
    print(jax.jit(kernel)(*tuple(_d.values())))

</pallas_src>

<mosaic_0001>
#map = affine_map<(d0, d1) -> (0, 0)>
#map1 = affine_map<(d0, d1) -> (0, 0, 0)>
module attributes {stable_mosaic.version = 14 : i64} {
  func.func @_agg_kernel(%arg0: i32, %arg1: i32, %arg2: memref<10000x128xf32, #tpu.memory_space<hbm>>, %arg3: memref<32x125x80xi32, #tpu.memory_space<hbm>>, %arg4: memref<32x125x80xi32, #tpu.memory_space<hbm>>, %arg5: memref<640x128xf32, #tpu.memory_space<hbm>>, %arg6: memref<2x10240x128xf32, #tpu.memory_space<hbm>>, %arg7: memref<4x80xi32, #tpu.memory_space<vmem>>, %arg8: memref<4x80xi32, #tpu.memory_space<vmem>>, %arg9: memref<3x80x128xf32, #tpu.memory_space<vmem>>, %arg10: memref<10240x128xf32, #tpu.memory_space<vmem_shared>>, %arg11: memref<4x!tpu.dma_semaphore, #tpu.memory_space<semaphore_mem>>, %arg12: memref<4x!tpu.dma_semaphore, #tpu.memory_space<semaphore_mem>>, %arg13: memref<3x!tpu.dma_semaphore, #tpu.memory_space<semaphore_mem>>, %arg14: memref<3x!tpu.dma_semaphore, #tpu.memory_space<semaphore_mem>>) attributes {dimension_semantics = [#tpu.dimension_semantics<core_parallel>, #tpu.dimension_semantics<subcore_parallel>], iteration_bounds = array<i64: 2, 16>, scalar_prefetch = 0 : i64, scratch_operands = 8 : i64, tpu.core_type = #tpu.core_type<sc_vector_subcore>, window_params = [{transform_indices = #map}, {transform_indices = #map1}, {transform_indices = #map1}, {transform_indices = #map}, {transform_indices = #map1}]} {
    %mul3A = arith.constant 16 : i32
    %mul3A_0 = arith.muli %arg0, %mul3A : i32
    %add3A = arith.addi %mul3A_0, %arg1 : i32
    %mul3A_1 = arith.constant 640 : i32
    %mul3A_2 = arith.muli %arg1, %mul3A_1 : i32
    "tpu.region"() ({
      %run_scoped3A = tpu.sem_alloc : memref<!tpu.dma_semaphore, #tpu.memory_space<semaphore_mem>>
      %dma_start3A_187 = arith.constant 0 : i32
      %dma_start3A_188 = tpu.memref_slice %arg10[%mul3A_2, %dma_start3A_187] : memref<10240x128xf32, #tpu.memory_space<vmem_shared>> -> memref<640x128xf32, #tpu.memory_space<vmem_shared>>
      tpu.enqueue_dma source(%arg5 : memref<640x128xf32, #tpu.memory_space<hbm>>) target(%dma_start3A_188 : memref<640x128xf32, #tpu.memory_space<vmem_shared>>) target_semaphore(%run_scoped3A : memref<!tpu.dma_semaphore, #tpu.memory_space<semaphore_mem>>)
      %dma_wait3A_189 = arith.constant 0 : i32
      %dma_wait3A_190 = tpu.memref_slice %arg10[%mul3A_2, %dma_wait3A_189] : memref<10240x128xf32, #tpu.memory_space<vmem_shared>> -> memref<640x128xf32, #tpu.memory_space<vmem_shared>>
      tpu.wait_dma2 semaphore(%run_scoped3A : memref<!tpu.dma_semaphore, #tpu.memory_space<semaphore_mem>>) src(%arg5 : memref<640x128xf32, #tpu.memory_space<hbm>>) dst(%dma_wait3A_190 : memref<640x128xf32, #tpu.memory_space<vmem_shared>>)
      tpu.yield
    }) : () -> ()
    %and3A = arith.constant 0 : i32
    %and3A_3 = arith.constant 3 : i32
    %and3A_4 = arith.andi %and3A, %and3A_3 : i32
    %dma_start3A = arith.constant 0 : i32
    %dma_start3A_5 = arith.constant 0 : i32
    %dma_start3A_6 = tpu.memref_slice %arg7[%and3A_4, %dma_start3A_5] : memref<4x80xi32, #tpu.memory_space<vmem>> -> memref<1x80xi32, #tpu.memory_space<vmem>>
    %dma_start3A_7 = tpu.memref_squeeze %dma_start3A_6 : memref<1x80xi32, #tpu.memory_space<vmem>> -> memref<80xi32, #tpu.memory_space<vmem>>
    %dma_start3A_8 = arith.constant 0 : i32
    %dma_start3A_9 = tpu.memref_slice %arg3[%add3A, %dma_start3A, %dma_start3A_8] : memref<32x125x80xi32, #tpu.memory_space<hbm>> -> memref<1x1x80xi32, #tpu.memory_space<hbm>>
    %dma_start3A_10 = tpu.memref_squeeze %dma_start3A_9 : memref<1x1x80xi32, #tpu.memory_space<hbm>> -> memref<80xi32, #tpu.memory_space<hbm>>
    %dma_start3A_11 = tpu.memref_slice %arg11[%and3A_4] : memref<4x!tpu.dma_semaphore, #tpu.memory_space<semaphore_mem>> -> memref<1x!tpu.dma_semaphore, #tpu.memory_space<semaphore_mem>>
    %dma_start3A_12 = tpu.memref_squeeze %dma_start3A_11 : memref<1x!tpu.dma_semaphore, #tpu.memory_space<semaphore_mem>> -> memref<!tpu.dma_semaphore, #tpu.memory_space<semaphore_mem>>
    %dma_start3A_13 = arith.constant 0 : i32
    %dma_start3A_14 = tpu.memref_slice %arg7[%and3A_4, %dma_start3A_13] : memref<4x80xi32, #tpu.memory_space<vmem>> -> memref<1x80xi32, #tpu.memory_space<vmem>>
    %dma_start3A_15 = tpu.memref_squeeze %dma_start3A_14 : memref<1x80xi32, #tpu.memory_space<vmem>> -> memref<80xi32, #tpu.memory_space<vmem>>
    %dma_start3A_16 = arith.constant 0 : i32
    %dma_start3A_17 = tpu.memref_slice %arg3[%add3A, %dma_start3A, %dma_start3A_16] : memref<32x125x80xi32, #tpu.memory_space<hbm>> -> memref<1x1x80xi32, #tpu.memory_space<hbm>>
    %dma_start3A_18 = tpu.memref_squeeze %dma_start3A_17 : memref<1x1x80xi32, #tpu.memory_space<hbm>> -> memref<80xi32, #tpu.memory_space<hbm>>
    tpu.enqueue_dma source(%dma_start3A_18 : memref<80xi32, #tpu.memory_space<hbm>>) target(%dma_start3A_15 : memref<80xi32, #tpu.memory_space<vmem>>) target_semaphore(%dma_start3A_12 : memref<!tpu.dma_semaphore, #tpu.memory_space<semaphore_mem>>)
    %dma_start3A_19 = arith.constant 0 : i32
    %dma_start3A_20 = arith.constant 0 : i32
    %dma_start3A_21 = tpu.memref_slice %arg8[%and3A_4, %dma_start3A_20] : memref<4x80xi32, #tpu.memory_space<vmem>> -> memref<1x80xi32, #tpu.memory_space<vmem>>
    %dma_start3A_22 = tpu.memref_squeeze %dma_start3A_21 : memref<1x80xi32, #tpu.memory_space<vmem>> -> memref<80xi32, #tpu.memory_space<vmem>>
    %dma_start3A_23 = arith.constant 0 : i32
    %dma_start3A_24 = tpu.memref_slice %arg4[%add3A, %dma_start3A_19, %dma_start3A_23] : memref<32x125x80xi32, #tpu.memory_space<hbm>> -> memref<1x1x80xi32, #tpu.memory_space<hbm>>
    %dma_start3A_25 = tpu.memref_squeeze %dma_start3A_24 : memref<1x1x80xi32, #tpu.memory_space<hbm>> -> memref<80xi32, #tpu.memory_space<hbm>>
    %dma_start3A_26 = tpu.memref_slice %arg12[%and3A_4] : memref<4x!tpu.dma_semaphore, #tpu.memory_space<semaphore_mem>> -> memref<1x!tpu.dma_semaphore, #tpu.memory_space<semaphore_mem>>
    %dma_start3A_27 = tpu.memref_squeeze %dma_start3A_26 : memref<1x!tpu.dma_semaphore, #tpu.memory_space<semaphore_mem>> -> memref<!tpu.dma_semaphore, #tpu.memory_space<semaphore_mem>>
    %dma_start3A_28 = arith.constant 0 : i32
    %dma_start3A_29 = tpu.memref_slice %arg8[%and3A_4, %dma_start3A_28] : memref<4x80xi32, #tpu.memory_space<vmem>> -> memref<1x80xi32, #tpu.memory_space<vmem>>
    %dma_start3A_30 = tpu.memref_squeeze %dma_start3A_29 : memref<1x80xi32, #tpu.memory_space<vmem>> -> memref<80xi32, #tpu.memory_space<vmem>>
    %dma_start3A_31 = arith.constant 0 : i32
    %dma_start3A_32 = tpu.memref_slice %arg4[%add3A, %dma_start3A_19, %dma_start3A_31] : memref<32x125x80xi32, #tpu.memory_space<hbm>> -> memref<1x1x80xi32, #tpu.memory_space<hbm>>
    %dma_start3A_33 = tpu.memref_squeeze %dma_start3A_32 : memref<1x1x80xi32, #tpu.memory_space<hbm>> -> memref<80xi32, #tpu.memory_space<hbm>>
    tpu.enqueue_dma source(%dma_start3A_33 : memref<80xi32, #tpu.memory_space<hbm>>) target(%dma_start3A_30 : memref<80xi32, #tpu.memory_space<vmem>>) target_semaphore(%dma_start3A_27 : memref<!tpu.dma_semaphore, #tpu.memory_space<semaphore_mem>>)
    %and3A_34 = arith.constant 1 : i32
    %and3A_35 = arith.constant 3 : i32
    %and3A_36 = arith.andi %and3A_34, %and3A_35 : i32
    %dma_start3A_37 = arith.constant 1 : i32
    %dma_start3A_38 = arith.constant 0 : i32
    %dma_start3A_39 = tpu.memref_slice %arg7[%and3A_36, %dma_start3A_38] : memref<4x80xi32, #tpu.memory_space<vmem>> -> memref<1x80xi32, #tpu.memory_space<vmem>>
    %dma_start3A_40 = tpu.memref_squeeze %dma_start3A_39 : memref<1x80xi32, #tpu.memory_space<vmem>> -> memref<80xi32, #tpu.memory_space<vmem>>
    %dma_start3A_41 = arith.constant 0 : i32
    %dma_start3A_42 = tpu.memref_slice %arg3[%add3A, %dma_start3A_37, %dma_start3A_41] : memref<32x125x80xi32, #tpu.memory_space<hbm>> -> memref<1x1x80xi32, #tpu.memory_space<hbm>>
    %dma_start3A_43 = tpu.memref_squeeze %dma_start3A_42 : memref<1x1x80xi32, #tpu.memory_space<hbm>> -> memref<80xi32, #tpu.memory_space<hbm>>
    %dma_start3A_44 = tpu.memref_slice %arg11[%and3A_36] : memref<4x!tpu.dma_semaphore, #tpu.memory_space<semaphore_mem>> -> memref<1x!tpu.dma_semaphore, #tpu.memory_space<semaphore_mem>>
    %dma_start3A_45 = tpu.memref_squeeze %dma_start3A_44 : memref<1x!tpu.dma_semaphore, #tpu.memory_space<semaphore_mem>> -> memref<!tpu.dma_semaphore, #tpu.memory_space<semaphore_mem>>
    %dma_start3A_46 = arith.constant 0 : i32
    %dma_start3A_47 = tpu.memref_slice %arg7[%and3A_36, %dma_start3A_46] : memref<4x80xi32, #tpu.memory_space<vmem>> -> memref<1x80xi32, #tpu.memory_space<vmem>>
    %dma_start3A_48 = tpu.memref_squeeze %dma_start3A_47 : memref<1x80xi32, #tpu.memory_space<vmem>> -> memref<80xi32, #tpu.memory_space<vmem>>
    %dma_start3A_49 = arith.constant 0 : i32
    %dma_start3A_50 = tpu.memref_slice %arg3[%add3A, %dma_start3A_37, %dma_start3A_49] : memref<32x125x80xi32, #tpu.memory_space<hbm>> -> memref<1x1x80xi32, #tpu.memory_space<hbm>>
    %dma_start3A_51 = tpu.memref_squeeze %dma_start3A_50 : memref<1x1x80xi32, #tpu.memory_space<hbm>> -> memref<80xi32, #tpu.memory_space<hbm>>
    tpu.enqueue_dma source(%dma_start3A_51 : memref<80xi32, #tpu.memory_space<hbm>>) target(%dma_start3A_48 : memref<80xi32, #tpu.memory_space<vmem>>) target_semaphore(%dma_start3A_45 : memref<!tpu.dma_semaphore, #tpu.memory_space<semaphore_mem>>)
    %dma_start3A_52 = arith.constant 1 : i32
    %dma_start3A_53 = arith.constant 0 : i32
    %dma_start3A_54 = tpu.memref_slice %arg8[%and3A_36, %dma_start3A_53] : memref<4x80xi32, #tpu.memory_space<vmem>> -> memref<1x80xi32, #tpu.memory_space<vmem>>
    %dma_start3A_55 = tpu.memref_squeeze %dma_start3A_54 : memref<1x80xi32, #tpu.memory_space<vmem>> -> memref<80xi32, #tpu.memory_space<vmem>>
    %dma_start3A_56 = arith.constant 0 : i32
    %dma_start3A_57 = tpu.memref_slice %arg4[%add3A, %dma_start3A_52, %dma_start3A_56] : memref<32x125x80xi32, #tpu.memory_space<hbm>> -> memref<1x1x80xi32, #tpu.memory_space<hbm>>
    %dma_start3A_58 = tpu.memref_squeeze %dma_start3A_57 : memref<1x1x80xi32, #tpu.memory_space<hbm>> -> memref<80xi32, #tpu.memory_space<hbm>>
    %dma_start3A_59 = tpu.memref_slice %arg12[%and3A_36] : memref<4x!tpu.dma_semaphore, #tpu.memory_space<semaphore_mem>> -> memref<1x!tpu.dma_semaphore, #tpu.memory_space<semaphore_mem>>
    %dma_start3A_60 = tpu.memref_squeeze %dma_start3A_59 : memref<1x!tpu.dma_semaphore, #tpu.memory_space<semaphore_mem>> -> memref<!tpu.dma_semaphore, #tpu.memory_space<semaphore_mem>>
    %dma_start3A_61 = arith.constant 0 : i32
    %dma_start3A_62 = tpu.memref_slice %arg8[%and3A_36, %dma_start3A_61] : memref<4x80xi32, #tpu.memory_space<vmem>> -> memref<1x80xi32, #tpu.memory_space<vmem>>
    %dma_start3A_63 = tpu.memref_squeeze %dma_start3A_62 : memref<1x80xi32, #tpu.memory_space<vmem>> -> memref<80xi32, #tpu.memory_space<vmem>>
    %dma_start3A_64 = arith.constant 0 : i32
    %dma_start3A_65 = tpu.memref_slice %arg4[%add3A, %dma_start3A_52, %dma_start3A_64] : memref<32x125x80xi32, #tpu.memory_space<hbm>> -> memref<1x1x80xi32, #tpu.memory_space<hbm>>
    %dma_start3A_66 = tpu.memref_squeeze %dma_start3A_65 : memref<1x1x80xi32, #tpu.memory_space<hbm>> -> memref<80xi32, #tpu.memory_space<hbm>>
    tpu.enqueue_dma source(%dma_start3A_66 : memref<80xi32, #tpu.memory_space<hbm>>) target(%dma_start3A_63 : memref<80xi32, #tpu.memory_space<vmem>>) target_semaphore(%dma_start3A_60 : memref<!tpu.dma_semaphore, #tpu.memory_space<semaphore_mem>>)
    %and3A_67 = arith.constant 2 : i32
    %and3A_68 = arith.constant 3 : i32
    %and3A_69 = arith.andi %and3A_67, %and3A_68 : i32
    %dma_start3A_70 = arith.constant 2 : i32
    %dma_start3A_71 = arith.constant 0 : i32
    %dma_start3A_72 = tpu.memref_slice %arg7[%and3A_69, %dma_start3A_71] : memref<4x80xi32, #tpu.memory_space<vmem>> -> memref<1x80xi32, #tpu.memory_space<vmem>>
    %dma_start3A_73 = tpu.memref_squeeze %dma_start3A_72 : memref<1x80xi32, #tpu.memory_space<vmem>> -> memref<80xi32, #tpu.memory_space<vmem>>
    %dma_start3A_74 = arith.constant 0 : i32
    %dma_start3A_75 = tpu.memref_slice %arg3[%add3A, %dma_start3A_70, %dma_start3A_74] : memref<32x125x80xi32, #tpu.memory_space<hbm>> -> memref<1x1x80xi32, #tpu.memory_space<hbm>>
    %dma_start3A_76 = tpu.memref_squeeze %dma_start3A_75 : memref<1x1x80xi32, #tpu.memory_space<hbm>> -> memref<80xi32, #tpu.memory_space<hbm>>
    %dma_start3A_77 = tpu.memref_slice %arg11[%and3A_69] : memref<4x!tpu.dma_semaphore, #tpu.memory_space<semaphore_mem>> -> memref<1x!tpu.dma_semaphore, #tpu.memory_space<semaphore_mem>>
    %dma_start3A_78 = tpu.memref_squeeze %dma_start3A_77 : memref<1x!tpu.dma_semaphore, #tpu.memory_space<semaphore_mem>> -> memref<!tpu.dma_semaphore, #tpu.memory_space<semaphore_mem>>
    %dma_start3A_79 = arith.constant 0 : i32
    %dma_start3A_80 = tpu.memref_slice %arg7[%and3A_69, %dma_start3A_79] : memref<4x80xi32, #tpu.memory_space<vmem>> -> memref<1x80xi32, #tpu.memory_space<vmem>>
    %dma_start3A_81 = tpu.memref_squeeze %dma_start3A_80 : memref<1x80xi32, #tpu.memory_space<vmem>> -> memref<80xi32, #tpu.memory_space<vmem>>
    %dma_start3A_82 = arith.constant 0 : i32
    %dma_start3A_83 = tpu.memref_slice %arg3[%add3A, %dma_start3A_70, %dma_start3A_82] : memref<32x125x80xi32, #tpu.memory_space<hbm>> -> memref<1x1x80xi32, #tpu.memory_space<hbm>>
    %dma_start3A_84 = tpu.memref_squeeze %dma_start3A_83 : memref<1x1x80xi32, #tpu.memory_space<hbm>> -> memref<80xi32, #tpu.memory_space<hbm>>
    tpu.enqueue_dma source(%dma_start3A_84 : memref<80xi32, #tpu.memory_space<hbm>>) target(%dma_start3A_81 : memref<80xi32, #tpu.memory_space<vmem>>) target_semaphore(%dma_start3A_78 : memref<!tpu.dma_semaphore, #tpu.memory_space<semaphore_mem>>)
    %dma_start3A_85 = arith.constant 2 : i32
    %dma_start3A_86 = arith.constant 0 : i32
    %dma_start3A_87 = tpu.memref_slice %arg8[%and3A_69, %dma_start3A_86] : memref<4x80xi32, #tpu.memory_space<vmem>> -> memref<1x80xi32, #tpu.memory_space<vmem>>
    %dma_start3A_88 = tpu.memref_squeeze %dma_start3A_87 : memref<1x80xi32, #tpu.memory_space<vmem>> -> memref<80xi32, #tpu.memory_space<vmem>>
    %dma_start3A_89 = arith.constant 0 : i32
    %dma_start3A_90 = tpu.memref_slice %arg4[%add3A, %dma_start3A_85, %dma_start3A_89] : memref<32x125x80xi32, #tpu.memory_space<hbm>> -> memref<1x1x80xi32, #tpu.memory_space<hbm>>
    %dma_start3A_91 = tpu.memref_squeeze %dma_start3A_90 : memref<1x1x80xi32, #tpu.memory_space<hbm>> -> memref<80xi32, #tpu.memory_space<hbm>>
    %dma_start3A_92 = tpu.memref_slice %arg12[%and3A_69] : memref<4x!tpu.dma_semaphore, #tpu.memory_space<semaphore_mem>> -> memref<1x!tpu.dma_semaphore, #tpu.memory_space<semaphore_mem>>
    %dma_start3A_93 = tpu.memref_squeeze %dma_start3A_92 : memref<1x!tpu.dma_semaphore, #tpu.memory_space<semaphore_mem>> -> memref<!tpu.dma_semaphore, #tpu.memory_space<semaphore_mem>>
    %dma_start3A_94 = arith.constant 0 : i32
    %dma_start3A_95 = tpu.memref_slice %arg8[%and3A_69, %dma_start3A_94] : memref<4x80xi32, #tpu.memory_space<vmem>> -> memref<1x80xi32, #tpu.memory_space<vmem>>
    %dma_start3A_96 = tpu.memref_squeeze %dma_start3A_95 : memref<1x80xi32, #tpu.memory_space<vmem>> -> memref<80xi32, #tpu.memory_space<vmem>>
    %dma_start3A_97 = arith.constant 0 : i32
    %dma_start3A_98 = tpu.memref_slice %arg4[%add3A, %dma_start3A_85, %dma_start3A_97] : memref<32x125x80xi32, #tpu.memory_space<hbm>> -> memref<1x1x80xi32, #tpu.memory_space<hbm>>
    %dma_start3A_99 = tpu.memref_squeeze %dma_start3A_98 : memref<1x1x80xi32, #tpu.memory_space<hbm>> -> memref<80xi32, #tpu.memory_space<hbm>>
    tpu.enqueue_dma source(%dma_start3A_99 : memref<80xi32, #tpu.memory_space<hbm>>) target(%dma_start3A_96 : memref<80xi32, #tpu.memory_space<vmem>>) target_semaphore(%dma_start3A_93 : memref<!tpu.dma_semaphore, #tpu.memory_space<semaphore_mem>>)
    %and3A_100 = arith.constant 0 : i32
    %and3A_101 = arith.constant 3 : i32
    %and3A_102 = arith.andi %and3A_100, %and3A_101 : i32
    %dma_wait3A = arith.constant 0 : i32
    %dma_wait3A_103 = arith.constant 0 : i32
    %dma_wait3A_104 = tpu.memref_slice %arg7[%and3A_102, %dma_wait3A_103] : memref<4x80xi32, #tpu.memory_space<vmem>> -> memref<1x80xi32, #tpu.memory_space<vmem>>
    %dma_wait3A_105 = tpu.memref_squeeze %dma_wait3A_104 : memref<1x80xi32, #tpu.memory_space<vmem>> -> memref<80xi32, #tpu.memory_space<vmem>>
    %dma_wait3A_106 = arith.constant 0 : i32
    %dma_wait3A_107 = tpu.memref_slice %arg3[%add3A, %dma_wait3A, %dma_wait3A_106] : memref<32x125x80xi32, #tpu.memory_space<hbm>> -> memref<1x1x80xi32, #tpu.memory_space<hbm>>
    %dma_wait3A_108 = tpu.memref_squeeze %dma_wait3A_107 : memref<1x1x80xi32, #tpu.memory_space<hbm>> -> memref<80xi32, #tpu.memory_space<hbm>>
    %dma_wait3A_109 = tpu.memref_slice %arg11[%and3A_102] : memref<4x!tpu.dma_semaphore, #tpu.memory_space<semaphore_mem>> -> memref<1x!tpu.dma_semaphore, #tpu.memory_space<semaphore_mem>>
    %dma_wait3A_110 = tpu.memref_squeeze %dma_wait3A_109 : memref<1x!tpu.dma_semaphore, #tpu.memory_space<semaphore_mem>> -> memref<!tpu.dma_semaphore, #tpu.memory_space<semaphore_mem>>
    %dma_wait3A_111 = arith.constant 0 : i32
    %dma_wait3A_112 = tpu.memref_slice %arg7[%and3A_102, %dma_wait3A_111] : memref<4x80xi32, #tpu.memory_space<vmem>> -> memref<1x80xi32, #tpu.memory_space<vmem>>
    %dma_wait3A_113 = tpu.memref_squeeze %dma_wait3A_112 : memref<1x80xi32, #tpu.memory_space<vmem>> -> memref<80xi32, #tpu.memory_space<vmem>>
    %dma_wait3A_114 = arith.constant 0 : i32
    %dma_wait3A_115 = tpu.memref_slice %arg3[%add3A, %dma_wait3A, %dma_wait3A_114] : memref<32x125x80xi32, #tpu.memory_space<hbm>> -> memref<1x1x80xi32, #tpu.memory_space<hbm>>
    %dma_wait3A_116 = tpu.memref_squeeze %dma_wait3A_115 : memref<1x1x80xi32, #tpu.memory_space<hbm>> -> memref<80xi32, #tpu.memory_space<hbm>>
    tpu.wait_dma2 semaphore(%dma_wait3A_110 : memref<!tpu.dma_semaphore, #tpu.memory_space<semaphore_mem>>) src(%dma_wait3A_116 : memref<80xi32, #tpu.memory_space<hbm>>) dst(%dma_wait3A_113 : memref<80xi32, #tpu.memory_space<vmem>>)
    %dma_start3A_117 = arith.constant 0 : i32
    %dma_start3A_118 = arith.constant 0 : i32
    %dma_start3A_119 = arith.constant 0 : i32
    %dma_start3A_120 = arith.constant 0 : i32
    %dma_start3A_121 = tpu.memref_slice %arg9[%dma_start3A_117, %dma_start3A_119, %dma_start3A_120] : memref<3x80x128xf32, #tpu.memory_space<vmem>> -> memref<1x80x128xf32, #tpu.memory_space<vmem>>
    %dma_start3A_122 = tpu.memref_squeeze %dma_start3A_121 : memref<1x80x128xf32, #tpu.memory_space<vmem>> -> memref<80x128xf32, #tpu.memory_space<vmem>>
    %dma_start3A_123 = arith.constant 0 : i32
    %dma_start3A_124 = tpu.memref_slice %arg7[%and3A_102, %dma_start3A_123] : memref<4x80xi32, #tpu.memory_space<vmem>> -> memref<1x80xi32, #tpu.memory_space<vmem>>
    %dma_start3A_125 = tpu.memref_squeeze %dma_start3A_124 : memref<1x80xi32, #tpu.memory_space<vmem>> -> memref<80xi32, #tpu.memory_space<vmem>>
    %dma_start3A_126 = arith.constant 0 : i32
    %dma_start3A_127 = arith.constant 0 : i32
    %dma_start3A_128 = tpu.memref_slice %arg2[%dma_start3A_126, %dma_start3A_127] : memref<10000x128xf32, #tpu.memory_space<hbm>> -> memref<10000x128xf32, #tpu.memory_space<hbm>>
    %dma_start3A_129 = tpu.memref_slice %arg13[%dma_start3A_118] : memref<3x!tpu.dma_semaphore, #tpu.memory_space<semaphore_mem>> -> memref<1x!tpu.dma_semaphore, #tpu.memory_space<semaphore_mem>>
    %dma_start3A_130 = tpu.memref_squeeze %dma_start3A_129 : memref<1x!tpu.dma_semaphore, #tpu.memory_space<semaphore_mem>> -> memref<!tpu.dma_semaphore, #tpu.memory_space<semaphore_mem>>
    tpu.enqueue_indirect_dma source(%dma_start3A_128 : memref<10000x128xf32, #tpu.memory_space<hbm>>) target(%dma_start3A_122 : memref<80x128xf32, #tpu.memory_space<vmem>>) offsets(%dma_start3A_125 : memref<80xi32, #tpu.memory_space<vmem>>) semaphore(%dma_start3A_130 : memref<!tpu.dma_semaphore, #tpu.memory_space<semaphore_mem>>)
    %and3A_131 = arith.constant 1 : i32
    %and3A_132 = arith.constant 3 : i32
    %and3A_133 = arith.andi %and3A_131, %and3A_132 : i32
    %dma_wait3A_134 = arith.constant 1 : i32
    %dma_wait3A_135 = arith.constant 0 : i32
    %dma_wait3A_136 = tpu.memref_slice %arg7[%and3A_133, %dma_wait3A_135] : memref<4x80xi32, #tpu.memory_space<vmem>> -> memref<1x80xi32, #tpu.memory_space<vmem>>
    %dma_wait3A_137 = tpu.memref_squeeze %dma_wait3A_136 : memref<1x80xi32, #tpu.memory_space<vmem>> -> memref<80xi32, #tpu.memory_space<vmem>>
    %dma_wait3A_138 = arith.constant 0 : i32
    %dma_wait3A_139 = tpu.memref_slice %arg3[%add3A, %dma_wait3A_134, %dma_wait3A_138] : memref<32x125x80xi32, #tpu.memory_space<hbm>> -> memref<1x1x80xi32, #tpu.memory_space<hbm>>
    %dma_wait3A_140 = tpu.memref_squeeze %dma_wait3A_139 : memref<1x1x80xi32, #tpu.memory_space<hbm>> -> memref<80xi32, #tpu.memory_space<hbm>>
    %dma_wait3A_141 = tpu.memref_slice %arg11[%and3A_133] : memref<4x!tpu.dma_semaphore, #tpu.memory_space<semaphore_mem>> -> memref<1x!tpu.dma_semaphore, #tpu.memory_space<semaphore_mem>>
    %dma_wait3A_142 = tpu.memref_squeeze %dma_wait3A_141 : memref<1x!tpu.dma_semaphore, #tpu.memory_space<semaphore_mem>> -> memref<!tpu.dma_semaphore, #tpu.memory_space<semaphore_mem>>
    %dma_wait3A_143 = arith.constant 0 : i32
    %dma_wait3A_144 = tpu.memref_slice %arg7[%and3A_133, %dma_wait3A_143] : memref<4x80xi32, #tpu.memory_space<vmem>> -> memref<1x80xi32, #tpu.memory_space<vmem>>
    %dma_wait3A_145 = tpu.memref_squeeze %dma_wait3A_144 : memref<1x80xi32, #tpu.memory_space<vmem>> -> memref<80xi32, #tpu.memory_space<vmem>>
    %dma_wait3A_146 = arith.constant 0 : i32
    %dma_wait3A_147 = tpu.memref_slice %arg3[%add3A, %dma_wait3A_134, %dma_wait3A_146] : memref<32x125x80xi32, #tpu.memory_space<hbm>> -> memref<1x1x80xi32, #tpu.memory_space<hbm>>
    %dma_wait3A_148 = tpu.memref_squeeze %dma_wait3A_147 : memref<1x1x80xi32, #tpu.memory_space<hbm>> -> memref<80xi32, #tpu.memory_space<hbm>>
    tpu.wait_dma2 semaphore(%dma_wait3A_142 : memref<!tpu.dma_semaphore, #tpu.memory_space<semaphore_mem>>) src(%dma_wait3A_148 : memref<80xi32, #tpu.memory_space<hbm>>) dst(%dma_wait3A_145 : memref<80xi32, #tpu.memory_space<vmem>>)
    %dma_start3A_149 = arith.constant 1 : i32
    %dma_start3A_150 = arith.constant 1 : i32
    %dma_start3A_151 = arith.constant 0 : i32
    %dma_start3A_152 = arith.constant 0 : i32
    %dma_start3A_153 = tpu.memref_slice %arg9[%dma_start3A_149, %dma_start3A_151, %dma_start3A_152] : memref<3x80x128xf32, #tpu.memory_space<vmem>> -> memref<1x80x128xf32, #tpu.memory_space<vmem>>
    %dma_start3A_154 = tpu.memref_squeeze %dma_start3A_153 : memref<1x80x128xf32, #tpu.memory_space<vmem>> -> memref<80x128xf32, #tpu.memory_space<vmem>>
    %dma_start3A_155 = arith.constant 0 : i32
    %dma_start3A_156 = tpu.memref_slice %arg7[%and3A_133, %dma_start3A_155] : memref<4x80xi32, #tpu.memory_space<vmem>> -> memref<1x80xi32, #tpu.memory_space<vmem>>
    %dma_start3A_157 = tpu.memref_squeeze %dma_start3A_156 : memref<1x80xi32, #tpu.memory_space<vmem>> -> memref<80xi32, #tpu.memory_space<vmem>>
    %dma_start3A_158 = arith.constant 0 : i32
    %dma_start3A_159 = arith.constant 0 : i32
    %dma_start3A_160 = tpu.memref_slice %arg2[%dma_start3A_158, %dma_start3A_159] : memref<10000x128xf32, #tpu.memory_space<hbm>> -> memref<10000x128xf32, #tpu.memory_space<hbm>>
    %dma_start3A_161 = tpu.memref_slice %arg13[%dma_start3A_150] : memref<3x!tpu.dma_semaphore, #tpu.memory_space<semaphore_mem>> -> memref<1x!tpu.dma_semaphore, #tpu.memory_space<semaphore_mem>>
    %dma_start3A_162 = tpu.memref_squeeze %dma_start3A_161 : memref<1x!tpu.dma_semaphore, #tpu.memory_space<semaphore_mem>> -> memref<!tpu.dma_semaphore, #tpu.memory_space<semaphore_mem>>
    tpu.enqueue_indirect_dma source(%dma_start3A_160 : memref<10000x128xf32, #tpu.memory_space<hbm>>) target(%dma_start3A_154 : memref<80x128xf32, #tpu.memory_space<vmem>>) offsets(%dma_start3A_157 : memref<80xi32, #tpu.memory_space<vmem>>) semaphore(%dma_start3A_162 : memref<!tpu.dma_semaphore, #tpu.memory_space<semaphore_mem>>)
    %barrier3A = arith.constant 0 : index
    tpu.barrier barrier_id(%barrier3A)
    %scan3A = arith.constant 0 : i32
    %scan3A_163 = arith.constant 125 : i32
    %scan3A_164 = arith.addi %scan3A, %scan3A_163 : i32
    %scan3A_165 = arith.constant 1 : i32
    scf.for %scan3A_187 = %scan3A to %scan3A_164 step %scan3A_165  : i32 {
      %mul3A_188 = arith.constant 1 : i32
      %mul3A_189 = arith.muli %scan3A_187, %mul3A_188 : i32
      %add3A_190 = arith.constant 0 : i32
      %add3A_191 = arith.addi %add3A_190, %mul3A_189 : i32
      %ge3A = arith.constant 1 : i32
      %ge3A_192 = arith.cmpi sge, %add3A_191, %ge3A : i32
      %convert_element_type3A = arith.extui %ge3A_192 : i1 to i32
      %cond3A = arith.constant 0 : i32
      %cond3A_193 = arith.cmpi ne, %convert_element_type3A, %cond3A : i32
      scf.if %cond3A_193 {
        %add3A_248 = arith.constant 2 : i32
        %add3A_249 = arith.addi %add3A_191, %add3A_248 : i32
        %rem3A_250 = arith.constant 3 : i32
        %rem3A_251 = arith.remsi %add3A_249, %rem3A_250 : i32
        %sub3A = arith.constant 1 : i32
        %sub3A_252 = arith.subi %add3A_191, %sub3A : i32
        %and3A_253 = arith.constant 3 : i32
        %and3A_254 = arith.andi %sub3A_252, %and3A_253 : i32
        %dma_wait3A_255 = arith.constant 0 : i32
        %dma_wait3A_256 = arith.constant 0 : i32
        %dma_wait3A_257 = tpu.memref_slice %arg9[%rem3A_251, %dma_wait3A_255, %dma_wait3A_256] : memref<3x80x128xf32, #tpu.memory_space<vmem>> -> memref<1x80x128xf32, #tpu.memory_space<vmem>>
        %dma_wait3A_258 = tpu.memref_squeeze %dma_wait3A_257 : memref<1x80x128xf32, #tpu.memory_space<vmem>> -> memref<80x128xf32, #tpu.memory_space<vmem>>
        %dma_wait3A_259 = arith.constant 0 : i32
        %dma_wait3A_260 = tpu.memref_slice %arg8[%and3A_254, %dma_wait3A_259] : memref<4x80xi32, #tpu.memory_space<vmem>> -> memref<1x80xi32, #tpu.memory_space<vmem>>
        %dma_wait3A_261 = tpu.memref_squeeze %dma_wait3A_260 : memref<1x80xi32, #tpu.memory_space<vmem>> -> memref<80xi32, #tpu.memory_space<vmem>>
        %dma_wait3A_262 = arith.constant 0 : i32
        %dma_wait3A_263 = arith.constant 0 : i32
        %dma_wait3A_264 = tpu.memref_slice %arg10[%dma_wait3A_262, %dma_wait3A_263] : memref<10240x128xf32, #tpu.memory_space<vmem_shared>> -> memref<10240x128xf32, #tpu.memory_space<vmem_shared>>
        %dma_wait3A_265 = tpu.memref_slice %arg14[%rem3A_251] : memref<3x!tpu.dma_semaphore, #tpu.memory_space<semaphore_mem>> -> memref<1x!tpu.dma_semaphore, #tpu.memory_space<semaphore_mem>>
        %dma_wait3A_266 = tpu.memref_squeeze %dma_wait3A_265 : memref<1x!tpu.dma_semaphore, #tpu.memory_space<semaphore_mem>> -> memref<!tpu.dma_semaphore, #tpu.memory_space<semaphore_mem>>
        tpu.wait_indirect_dma semaphore(%dma_wait3A_266 : memref<!tpu.dma_semaphore, #tpu.memory_space<semaphore_mem>>) src(%dma_wait3A_258 : memref<80x128xf32, #tpu.memory_space<vmem>>) dst(%dma_wait3A_264 : memref<10240x128xf32, #tpu.memory_space<vmem_shared>>)
      } else {
      }
      %add3A_194 = arith.constant 3 : i32
      %add3A_195 = arith.addi %add3A_191, %add3A_194 : i32
      %lt3A = arith.constant 125 : i32
      %lt3A_196 = arith.cmpi slt, %add3A_195, %lt3A : i32
      %convert_element_type3A_197 = arith.extui %lt3A_196 : i1 to i32
      %cond3A_198 = arith.constant 0 : i32
      %cond3A_199 = arith.cmpi ne, %convert_element_type3A_197, %cond3A_198 : i32
      scf.if %cond3A_199 {
        %add3A_248 = arith.constant 3 : i32
        %add3A_249 = arith.addi %add3A_191, %add3A_248 : i32
        %and3A_250 = arith.constant 3 : i32
        %and3A_251 = arith.andi %add3A_249, %and3A_250 : i32
        %dma_start3A_252 = arith.constant 0 : i32
        %dma_start3A_253 = tpu.memref_slice %arg7[%and3A_251, %dma_start3A_252] : memref<4x80xi32, #tpu.memory_space<vmem>> -> memref<1x80xi32, #tpu.memory_space<vmem>>
        %dma_start3A_254 = tpu.memref_squeeze %dma_start3A_253 : memref<1x80xi32, #tpu.memory_space<vmem>> -> memref<80xi32, #tpu.memory_space<vmem>>
        %dma_start3A_255 = arith.constant 0 : i32
        %dma_start3A_256 = tpu.memref_slice %arg3[%add3A, %add3A_249, %dma_start3A_255] : memref<32x125x80xi32, #tpu.memory_space<hbm>> -> memref<1x1x80xi32, #tpu.memory_space<hbm>>
        %dma_start3A_257 = tpu.memref_squeeze %dma_start3A_256 : memref<1x1x80xi32, #tpu.memory_space<hbm>> -> memref<80xi32, #tpu.memory_space<hbm>>
        %dma_start3A_258 = tpu.memref_slice %arg11[%and3A_251] : memref<4x!tpu.dma_semaphore, #tpu.memory_space<semaphore_mem>> -> memref<1x!tpu.dma_semaphore, #tpu.memory_space<semaphore_mem>>
        %dma_start3A_259 = tpu.memref_squeeze %dma_start3A_258 : memref<1x!tpu.dma_semaphore, #tpu.memory_space<semaphore_mem>> -> memref<!tpu.dma_semaphore, #tpu.memory_space<semaphore_mem>>
        %dma_start3A_260 = arith.constant 0 : i32
        %dma_start3A_261 = tpu.memref_slice %arg7[%and3A_251, %dma_start3A_260] : memref<4x80xi32, #tpu.memory_space<vmem>> -> memref<1x80xi32, #tpu.memory_space<vmem>>
        %dma_start3A_262 = tpu.memref_squeeze %dma_start3A_261 : memref<1x80xi32, #tpu.memory_space<vmem>> -> memref<80xi32, #tpu.memory_space<vmem>>
        %dma_start3A_263 = arith.constant 0 : i32
        %dma_start3A_264 = tpu.memref_slice %arg3[%add3A, %add3A_249, %dma_start3A_263] : memref<32x125x80xi32, #tpu.memory_space<hbm>> -> memref<1x1x80xi32, #tpu.memory_space<hbm>>
        %dma_start3A_265 = tpu.memref_squeeze %dma_start3A_264 : memref<1x1x80xi32, #tpu.memory_space<hbm>> -> memref<80xi32, #tpu.memory_space<hbm>>
        tpu.enqueue_dma source(%dma_start3A_265 : memref<80xi32, #tpu.memory_space<hbm>>) target(%dma_start3A_262 : memref<80xi32, #tpu.memory_space<vmem>>) target_semaphore(%dma_start3A_259 : memref<!tpu.dma_semaphore, #tpu.memory_space<semaphore_mem>>)
        %dma_start3A_266 = arith.constant 0 : i32
        %dma_start3A_267 = tpu.memref_slice %arg8[%and3A_251, %dma_start3A_266] : memref<4x80xi32, #tpu.memory_space<vmem>> -> memref<1x80xi32, #tpu.memory_space<vmem>>
        %dma_start3A_268 = tpu.memref_squeeze %dma_start3A_267 : memref<1x80xi32, #tpu.memory_space<vmem>> -> memref<80xi32, #tpu.memory_space<vmem>>
        %dma_start3A_269 = arith.constant 0 : i32
        %dma_start3A_270 = tpu.memref_slice %arg4[%add3A, %add3A_249, %dma_start3A_269] : memref<32x125x80xi32, #tpu.memory_space<hbm>> -> memref<1x1x80xi32, #tpu.memory_space<hbm>>
        %dma_start3A_271 = tpu.memref_squeeze %dma_start3A_270 : memref<1x1x80xi32, #tpu.memory_space<hbm>> -> memref<80xi32, #tpu.memory_space<hbm>>
        %dma_start3A_272 = tpu.memref_slice %arg12[%and3A_251] : memref<4x!tpu.dma_semaphore, #tpu.memory_space<semaphore_mem>> -> memref<1x!tpu.dma_semaphore, #tpu.memory_space<semaphore_mem>>
        %dma_start3A_273 = tpu.memref_squeeze %dma_start3A_272 : memref<1x!tpu.dma_semaphore, #tpu.memory_space<semaphore_mem>> -> memref<!tpu.dma_semaphore, #tpu.memory_space<semaphore_mem>>
        %dma_start3A_274 = arith.constant 0 : i32
        %dma_start3A_275 = tpu.memref_slice %arg8[%and3A_251, %dma_start3A_274] : memref<4x80xi32, #tpu.memory_space<vmem>> -> memref<1x80xi32, #tpu.memory_space<vmem>>
        %dma_start3A_276 = tpu.memref_squeeze %dma_start3A_275 : memref<1x80xi32, #tpu.memory_space<vmem>> -> memref<80xi32, #tpu.memory_space<vmem>>
        %dma_start3A_277 = arith.constant 0 : i32
        %dma_start3A_278 = tpu.memref_slice %arg4[%add3A, %add3A_249, %dma_start3A_277] : memref<32x125x80xi32, #tpu.memory_space<hbm>> -> memref<1x1x80xi32, #tpu.memory_space<hbm>>
        %dma_start3A_279 = tpu.memref_squeeze %dma_start3A_278 : memref<1x1x80xi32, #tpu.memory_space<hbm>> -> memref<80xi32, #tpu.memory_space<hbm>>
        tpu.enqueue_dma source(%dma_start3A_279 : memref<80xi32, #tpu.memory_space<hbm>>) target(%dma_start3A_276 : memref<80xi32, #tpu.memory_space<vmem>>) target_semaphore(%dma_start3A_273 : memref<!tpu.dma_semaphore, #tpu.memory_space<semaphore_mem>>)
      } else {
      }
      %add3A_200 = arith.constant 2 : i32
      %add3A_201 = arith.addi %add3A_191, %add3A_200 : i32
      %lt3A_202 = arith.constant 125 : i32
      %lt3A_203 = arith.cmpi slt, %add3A_201, %lt3A_202 : i32
      %convert_element_type3A_204 = arith.extui %lt3A_203 : i1 to i32
      %cond3A_205 = arith.constant 0 : i32
      %cond3A_206 = arith.cmpi ne, %convert_element_type3A_204, %cond3A_205 : i32
      scf.if %cond3A_206 {
        %add3A_248 = arith.constant 2 : i32
        %add3A_249 = arith.addi %add3A_191, %add3A_248 : i32
        %add3A_250 = arith.constant 2 : i32
        %add3A_251 = arith.addi %add3A_191, %add3A_250 : i32
        %rem3A_252 = arith.constant 3 : i32
        %rem3A_253 = arith.remsi %add3A_251, %rem3A_252 : i32
        %and3A_254 = arith.constant 3 : i32
        %and3A_255 = arith.andi %add3A_249, %and3A_254 : i32
        %dma_wait3A_256 = arith.constant 0 : i32
        %dma_wait3A_257 = tpu.memref_slice %arg7[%and3A_255, %dma_wait3A_256] : memref<4x80xi32, #tpu.memory_space<vmem>> -> memref<1x80xi32, #tpu.memory_space<vmem>>
        %dma_wait3A_258 = tpu.memref_squeeze %dma_wait3A_257 : memref<1x80xi32, #tpu.memory_space<vmem>> -> memref<80xi32, #tpu.memory_space<vmem>>
        %dma_wait3A_259 = arith.constant 0 : i32
        %dma_wait3A_260 = tpu.memref_slice %arg3[%add3A, %add3A_249, %dma_wait3A_259] : memref<32x125x80xi32, #tpu.memory_space<hbm>> -> memref<1x1x80xi32, #tpu.memory_space<hbm>>
        %dma_wait3A_261 = tpu.memref_squeeze %dma_wait3A_260 : memref<1x1x80xi32, #tpu.memory_space<hbm>> -> memref<80xi32, #tpu.memory_space<hbm>>
        %dma_wait3A_262 = tpu.memref_slice %arg11[%and3A_255] : memref<4x!tpu.dma_semaphore, #tpu.memory_space<semaphore_mem>> -> memref<1x!tpu.dma_semaphore, #tpu.memory_space<semaphore_mem>>
        %dma_wait3A_263 = tpu.memref_squeeze %dma_wait3A_262 : memref<1x!tpu.dma_semaphore, #tpu.memory_space<semaphore_mem>> -> memref<!tpu.dma_semaphore, #tpu.memory_space<semaphore_mem>>
        %dma_wait3A_264 = arith.constant 0 : i32
        %dma_wait3A_265 = tpu.memref_slice %arg7[%and3A_255, %dma_wait3A_264] : memref<4x80xi32, #tpu.memory_space<vmem>> -> memref<1x80xi32, #tpu.memory_space<vmem>>
        %dma_wait3A_266 = tpu.memref_squeeze %dma_wait3A_265 : memref<1x80xi32, #tpu.memory_space<vmem>> -> memref<80xi32, #tpu.memory_space<vmem>>
        %dma_wait3A_267 = arith.constant 0 : i32
        %dma_wait3A_268 = tpu.memref_slice %arg3[%add3A, %add3A_249, %dma_wait3A_267] : memref<32x125x80xi32, #tpu.memory_space<hbm>> -> memref<1x1x80xi32, #tpu.memory_space<hbm>>
        %dma_wait3A_269 = tpu.memref_squeeze %dma_wait3A_268 : memref<1x1x80xi32, #tpu.memory_space<hbm>> -> memref<80xi32, #tpu.memory_space<hbm>>
        tpu.wait_dma2 semaphore(%dma_wait3A_263 : memref<!tpu.dma_semaphore, #tpu.memory_space<semaphore_mem>>) src(%dma_wait3A_269 : memref<80xi32, #tpu.memory_space<hbm>>) dst(%dma_wait3A_266 : memref<80xi32, #tpu.memory_space<vmem>>)
        %dma_start3A_270 = arith.constant 0 : i32
        %dma_start3A_271 = arith.constant 0 : i32
        %dma_start3A_272 = tpu.memref_slice %arg9[%rem3A_253, %dma_start3A_270, %dma_start3A_271] : memref<3x80x128xf32, #tpu.memory_space<vmem>> -> memref<1x80x128xf32, #tpu.memory_space<vmem>>
        %dma_start3A_273 = tpu.memref_squeeze %dma_start3A_272 : memref<1x80x128xf32, #tpu.memory_space<vmem>> -> memref<80x128xf32, #tpu.memory_space<vmem>>
        %dma_start3A_274 = arith.constant 0 : i32
        %dma_start3A_275 = tpu.memref_slice %arg7[%and3A_255, %dma_start3A_274] : memref<4x80xi32, #tpu.memory_space<vmem>> -> memref<1x80xi32, #tpu.memory_space<vmem>>
        %dma_start3A_276 = tpu.memref_squeeze %dma_start3A_275 : memref<1x80xi32, #tpu.memory_space<vmem>> -> memref<80xi32, #tpu.memory_space<vmem>>
        %dma_start3A_277 = arith.constant 0 : i32
        %dma_start3A_278 = arith.constant 0 : i32
        %dma_start3A_279 = tpu.memref_slice %arg2[%dma_start3A_277, %dma_start3A_278] : memref<10000x128xf32, #tpu.memory_space<hbm>> -> memref<10000x128xf32, #tpu.memory_space<hbm>>
        %dma_start3A_280 = tpu.memref_slice %arg13[%rem3A_253] : memref<3x!tpu.dma_semaphore, #tpu.memory_space<semaphore_mem>> -> memref<1x!tpu.dma_semaphore, #tpu.memory_space<semaphore_mem>>
        %dma_start3A_281 = tpu.memref_squeeze %dma_start3A_280 : memref<1x!tpu.dma_semaphore, #tpu.memory_space<semaphore_mem>> -> memref<!tpu.dma_semaphore, #tpu.memory_space<semaphore_mem>>
        tpu.enqueue_indirect_dma source(%dma_start3A_279 : memref<10000x128xf32, #tpu.memory_space<hbm>>) target(%dma_start3A_273 : memref<80x128xf32, #tpu.memory_space<vmem>>) offsets(%dma_start3A_276 : memref<80xi32, #tpu.memory_space<vmem>>) semaphore(%dma_start3A_281 : memref<!tpu.dma_semaphore, #tpu.memory_space<semaphore_mem>>)
      } else {
      }
      %rem3A = arith.constant 3 : i32
      %rem3A_207 = arith.remsi %add3A_191, %rem3A : i32
      %and3A_208 = arith.constant 3 : i32
      %and3A_209 = arith.andi %add3A_191, %and3A_208 : i32
      %dma_wait3A_210 = arith.constant 0 : i32
      %dma_wait3A_211 = arith.constant 0 : i32
      %dma_wait3A_212 = tpu.memref_slice %arg9[%rem3A_207, %dma_wait3A_210, %dma_wait3A_211] : memref<3x80x128xf32, #tpu.memory_space<vmem>> -> memref<1x80x128xf32, #tpu.memory_space<vmem>>
      %dma_wait3A_213 = tpu.memref_squeeze %dma_wait3A_212 : memref<1x80x128xf32, #tpu.memory_space<vmem>> -> memref<80x128xf32, #tpu.memory_space<vmem>>
      %dma_wait3A_214 = arith.constant 0 : i32
      %dma_wait3A_215 = tpu.memref_slice %arg7[%and3A_209, %dma_wait3A_214] : memref<4x80xi32, #tpu.memory_space<vmem>> -> memref<1x80xi32, #tpu.memory_space<vmem>>
      %dma_wait3A_216 = tpu.memref_squeeze %dma_wait3A_215 : memref<1x80xi32, #tpu.memory_space<vmem>> -> memref<80xi32, #tpu.memory_space<vmem>>
      %dma_wait3A_217 = arith.constant 0 : i32
      %dma_wait3A_218 = arith.constant 0 : i32
      %dma_wait3A_219 = tpu.memref_slice %arg2[%dma_wait3A_217, %dma_wait3A_218] : memref<10000x128xf32, #tpu.memory_space<hbm>> -> memref<10000x128xf32, #tpu.memory_space<hbm>>
      %dma_wait3A_220 = tpu.memref_slice %arg13[%rem3A_207] : memref<3x!tpu.dma_semaphore, #tpu.memory_space<semaphore_mem>> -> memref<1x!tpu.dma_semaphore, #tpu.memory_space<semaphore_mem>>
      %dma_wait3A_221 = tpu.memref_squeeze %dma_wait3A_220 : memref<1x!tpu.dma_semaphore, #tpu.memory_space<semaphore_mem>> -> memref<!tpu.dma_semaphore, #tpu.memory_space<semaphore_mem>>
      tpu.wait_indirect_dma semaphore(%dma_wait3A_221 : memref<!tpu.dma_semaphore, #tpu.memory_space<semaphore_mem>>) src(%dma_wait3A_219 : memref<10000x128xf32, #tpu.memory_space<hbm>>) dst(%dma_wait3A_213 : memref<80x128xf32, #tpu.memory_space<vmem>>)
      %dma_wait3A_222 = arith.constant 0 : i32
      %dma_wait3A_223 = tpu.memref_slice %arg8[%and3A_209, %dma_wait3A_222] : memref<4x80xi32, #tpu.memory_space<vmem>> -> memref<1x80xi32, #tpu.memory_space<vmem>>
      %dma_wait3A_224 = tpu.memref_squeeze %dma_wait3A_223 : memref<1x80xi32, #tpu.memory_space<vmem>> -> memref<80xi32, #tpu.memory_space<vmem>>
      %dma_wait3A_225 = arith.constant 0 : i32
      %dma_wait3A_226 = tpu.memref_slice %arg4[%add3A, %add3A_191, %dma_wait3A_225] : memref<32x125x80xi32, #tpu.memory_space<hbm>> -> memref<1x1x80xi32, #tpu.memory_space<hbm>>
      %dma_wait3A_227 = tpu.memref_squeeze %dma_wait3A_226 : memref<1x1x80xi32, #tpu.memory_space<hbm>> -> memref<80xi32, #tpu.memory_space<hbm>>
      %dma_wait3A_228 = tpu.memref_slice %arg12[%and3A_209] : memref<4x!tpu.dma_semaphore, #tpu.memory_space<semaphore_mem>> -> memref<1x!tpu.dma_semaphore, #tpu.memory_space<semaphore_mem>>
      %dma_wait3A_229 = tpu.memref_squeeze %dma_wait3A_228 : memref<1x!tpu.dma_semaphore, #tpu.memory_space<semaphore_mem>> -> memref<!tpu.dma_semaphore, #tpu.memory_space<semaphore_mem>>
      %dma_wait3A_230 = arith.constant 0 : i32
      %dma_wait3A_231 = tpu.memref_slice %arg8[%and3A_209, %dma_wait3A_230] : memref<4x80xi32, #tpu.memory_space<vmem>> -> memref<1x80xi32, #tpu.memory_space<vmem>>
      %dma_wait3A_232 = tpu.memref_squeeze %dma_wait3A_231 : memref<1x80xi32, #tpu.memory_space<vmem>> -> memref<80xi32, #tpu.memory_space<vmem>>
      %dma_wait3A_233 = arith.constant 0 : i32
      %dma_wait3A_234 = tpu.memref_slice %arg4[%add3A, %add3A_191, %dma_wait3A_233] : memref<32x125x80xi32, #tpu.memory_space<hbm>> -> memref<1x1x80xi32, #tpu.memory_space<hbm>>
      %dma_wait3A_235 = tpu.memref_squeeze %dma_wait3A_234 : memref<1x1x80xi32, #tpu.memory_space<hbm>> -> memref<80xi32, #tpu.memory_space<hbm>>
      tpu.wait_dma2 semaphore(%dma_wait3A_229 : memref<!tpu.dma_semaphore, #tpu.memory_space<semaphore_mem>>) src(%dma_wait3A_235 : memref<80xi32, #tpu.memory_space<hbm>>) dst(%dma_wait3A_232 : memref<80xi32, #tpu.memory_space<vmem>>)
      %dma_start3A_236 = arith.constant 0 : i32
      %dma_start3A_237 = arith.constant 0 : i32
      %dma_start3A_238 = tpu.memref_slice %arg9[%rem3A_207, %dma_start3A_236, %dma_start3A_237] : memref<3x80x128xf32, #tpu.memory_space<vmem>> -> memref<1x80x128xf32, #tpu.memory_space<vmem>>
      %dma_start3A_239 = tpu.memref_squeeze %dma_start3A_238 : memref<1x80x128xf32, #tpu.memory_space<vmem>> -> memref<80x128xf32, #tpu.memory_space<vmem>>
      %dma_start3A_240 = arith.constant 0 : i32
      %dma_start3A_241 = tpu.memref_slice %arg8[%and3A_209, %dma_start3A_240] : memref<4x80xi32, #tpu.memory_space<vmem>> -> memref<1x80xi32, #tpu.memory_space<vmem>>
      %dma_start3A_242 = tpu.memref_squeeze %dma_start3A_241 : memref<1x80xi32, #tpu.memory_space<vmem>> -> memref<80xi32, #tpu.memory_space<vmem>>
      %dma_start3A_243 = arith.constant 0 : i32
      %dma_start3A_244 = arith.constant 0 : i32
      %dma_start3A_245 = tpu.memref_slice %arg10[%dma_start3A_243, %dma_start3A_244] : memref<10240x128xf32, #tpu.memory_space<vmem_shared>> -> memref<10240x128xf32, #tpu.memory_space<vmem_shared>>
      %dma_start3A_246 = tpu.memref_slice %arg14[%rem3A_207] : memref<3x!tpu.dma_semaphore, #tpu.memory_space<semaphore_mem>> -> memref<1x!tpu.dma_semaphore, #tpu.memory_space<semaphore_mem>>
      %dma_start3A_247 = tpu.memref_squeeze %dma_start3A_246 : memref<1x!tpu.dma_semaphore, #tpu.memory_space<semaphore_mem>> -> memref<!tpu.dma_semaphore, #tpu.memory_space<semaphore_mem>>
      tpu.enqueue_indirect_dma source(%dma_start3A_239 : memref<80x128xf32, #tpu.memory_space<vmem>>) target(%dma_start3A_245 : memref<10240x128xf32, #tpu.memory_space<vmem_shared>>) offsets(%dma_start3A_242 : memref<80xi32, #tpu.memory_space<vmem>>) semaphore(%dma_start3A_247 : memref<!tpu.dma_semaphore, #tpu.memory_space<semaphore_mem>>) {add = true}
    }
    %scan3A_166 = arith.constant 125 : i32
    %dma_wait3A_167 = arith.constant 1 : i32
    %dma_wait3A_168 = arith.constant 0 : i32
    %dma_wait3A_169 = arith.constant 1 : i32
    %dma_wait3A_170 = arith.constant 0 : i32
    %dma_wait3A_171 = arith.constant 0 : i32
    %dma_wait3A_172 = tpu.memref_slice %arg9[%dma_wait3A_167, %dma_wait3A_170, %dma_wait3A_171] : memref<3x80x128xf32, #tpu.memory_space<vmem>> -> memref<1x80x128xf32, #tpu.memory_space<vmem>>
    %dma_wait3A_173 = tpu.memref_squeeze %dma_wait3A_172 : memref<1x80x128xf32, #tpu.memory_space<vmem>> -> memref<80x128xf32, #tpu.memory_space<vmem>>
    %dma_wait3A_174 = arith.constant 0 : i32
    %dma_wait3A_175 = tpu.memref_slice %arg8[%dma_wait3A_168, %dma_wait3A_174] : memref<4x80xi32, #tpu.memory_space<vmem>> -> memref<1x80xi32, #tpu.memory_space<vmem>>
    %dma_wait3A_176 = tpu.memref_squeeze %dma_wait3A_175 : memref<1x80xi32, #tpu.memory_space<vmem>> -> memref<80xi32, #tpu.memory_space<vmem>>
    %dma_wait3A_177 = arith.constant 0 : i32
    %dma_wait3A_178 = arith.constant 0 : i32
    %dma_wait3A_179 = tpu.memref_slice %arg10[%dma_wait3A_177, %dma_wait3A_178] : memref<10240x128xf32, #tpu.memory_space<vmem_shared>> -> memref<10240x128xf32, #tpu.memory_space<vmem_shared>>
    %dma_wait3A_180 = tpu.memref_slice %arg14[%dma_wait3A_169] : memref<3x!tpu.dma_semaphore, #tpu.memory_space<semaphore_mem>> -> memref<1x!tpu.dma_semaphore, #tpu.memory_space<semaphore_mem>>
    %dma_wait3A_181 = tpu.memref_squeeze %dma_wait3A_180 : memref<1x!tpu.dma_semaphore, #tpu.memory_space<semaphore_mem>> -> memref<!tpu.dma_semaphore, #tpu.memory_space<semaphore_mem>>
    tpu.wait_indirect_dma semaphore(%dma_wait3A_181 : memref<!tpu.dma_semaphore, #tpu.memory_space<semaphore_mem>>) src(%dma_wait3A_173 : memref<80x128xf32, #tpu.memory_space<vmem>>) dst(%dma_wait3A_179 : memref<10240x128xf32, #tpu.memory_space<vmem_shared>>)
    %barrier3A_182 = arith.constant 0 : index
    tpu.barrier barrier_id(%barrier3A_182)
    %mul3A_183 = arith.constant 640 : i32
    %mul3A_184 = arith.muli %arg1, %mul3A_183 : i32
    %mul3A_185 = arith.constant 640 : i32
    %mul3A_186 = arith.muli %arg1, %mul3A_185 : i32
    "tpu.region"() ({
      %run_scoped3A = tpu.sem_alloc : memref<!tpu.dma_semaphore, #tpu.memory_space<semaphore_mem>>
      %dma_start3A_187 = arith.constant 0 : i32
      %dma_start3A_188 = tpu.memref_slice %arg6[%arg0, %mul3A_186, %dma_start3A_187] : memref<2x10240x128xf32, #tpu.memory_space<hbm>> -> memref<1x640x128xf32, #tpu.memory_space<hbm>>
      %dma_start3A_189 = tpu.memref_squeeze %dma_start3A_188 : memref<1x640x128xf32, #tpu.memory_space<hbm>> -> memref<640x128xf32, #tpu.memory_space<hbm>>
      %dma_start3A_190 = arith.constant 0 : i32
      %dma_start3A_191 = tpu.memref_slice %arg10[%mul3A_184, %dma_start3A_190] : memref<10240x128xf32, #tpu.memory_space<vmem_shared>> -> memref<640x128xf32, #tpu.memory_space<vmem_shared>>
      tpu.enqueue_dma source(%dma_start3A_191 : memref<640x128xf32, #tpu.memory_space<vmem_shared>>) target(%dma_start3A_189 : memref<640x128xf32, #tpu.memory_space<hbm>>) target_semaphore(%run_scoped3A : memref<!tpu.dma_semaphore, #tpu.memory_space<semaphore_mem>>)
      %dma_wait3A_192 = arith.constant 0 : i32
      %dma_wait3A_193 = tpu.memref_slice %arg6[%arg0, %mul3A_186, %dma_wait3A_192] : memref<2x10240x128xf32, #tpu.memory_space<hbm>> -> memref<1x640x128xf32, #tpu.memory_space<hbm>>
      %dma_wait3A_194 = tpu.memref_squeeze %dma_wait3A_193 : memref<1x640x128xf32, #tpu.memory_space<hbm>> -> memref<640x128xf32, #tpu.memory_space<hbm>>
      %dma_wait3A_195 = arith.constant 0 : i32
      %dma_wait3A_196 = tpu.memref_slice %arg10[%mul3A_184, %dma_wait3A_195] : memref<10240x128xf32, #tpu.memory_space<vmem_shared>> -> memref<640x128xf32, #tpu.memory_space<vmem_shared>>
      tpu.wait_dma2 semaphore(%run_scoped3A : memref<!tpu.dma_semaphore, #tpu.memory_space<semaphore_mem>>) src(%dma_wait3A_196 : memref<640x128xf32, #tpu.memory_space<vmem_shared>>) dst(%dma_wait3A_194 : memref<640x128xf32, #tpu.memory_space<hbm>>)
      tpu.yield
    }) : () -> ()
    return
  }
}

#map = affine_map<(d0, d1) -> (0, 0, 0)>
#map1 = affine_map<(d0, d1) -> (0)>
#map2 = affine_map<(d0, d1) -> (0, 0)>
module attributes {stable_mosaic.version = 14 : i64} {
  func.func @_deg_kernel(%arg0: i32, %arg1: i32, %arg2: memref<32x125x80xi32, #tpu.memory_space<hbm>>, %arg3: memref<80xf32, #tpu.memory_space<hbm>>, %arg4: memref<640xf32, #tpu.memory_space<hbm>>, %arg5: memref<2x10240xf32, #tpu.memory_space<hbm>>, %arg6: memref<125x80xi32, #tpu.memory_space<vmem>>, %arg7: memref<80xf32, #tpu.memory_space<vmem>>, %arg8: memref<10240xf32, #tpu.memory_space<vmem_shared>>, %arg9: memref<3x!tpu.dma_semaphore, #tpu.memory_space<semaphore_mem>>) attributes {dimension_semantics = [#tpu.dimension_semantics<core_parallel>, #tpu.dimension_semantics<subcore_parallel>], iteration_bounds = array<i64: 2, 16>, scalar_prefetch = 0 : i64, scratch_operands = 4 : i64, tpu.core_type = #tpu.core_type<sc_vector_subcore>, window_params = [{transform_indices = #map}, {transform_indices = #map1}, {transform_indices = #map1}, {transform_indices = #map2}]} {
    %mul3A = arith.constant 16 : i32
    %mul3A_0 = arith.muli %arg0, %mul3A : i32
    %add3A = arith.addi %mul3A_0, %arg1 : i32
    %mul3A_1 = arith.constant 640 : i32
    %mul3A_2 = arith.muli %arg1, %mul3A_1 : i32
    "tpu.region"() ({
      %run_scoped3A = tpu.sem_alloc : memref<!tpu.dma_semaphore, #tpu.memory_space<semaphore_mem>>
      %dma_start3A = tpu.memref_slice %arg8[%mul3A_2] : memref<10240xf32, #tpu.memory_space<vmem_shared>> -> memref<640xf32, #tpu.memory_space<vmem_shared>>
      tpu.enqueue_dma source(%arg4 : memref<640xf32, #tpu.memory_space<hbm>>) target(%dma_start3A : memref<640xf32, #tpu.memory_space<vmem_shared>>) target_semaphore(%run_scoped3A : memref<!tpu.dma_semaphore, #tpu.memory_space<semaphore_mem>>)
      %dma_wait3A_38 = tpu.memref_slice %arg8[%mul3A_2] : memref<10240xf32, #tpu.memory_space<vmem_shared>> -> memref<640xf32, #tpu.memory_space<vmem_shared>>
      tpu.wait_dma2 semaphore(%run_scoped3A : memref<!tpu.dma_semaphore, #tpu.memory_space<semaphore_mem>>) src(%arg4 : memref<640xf32, #tpu.memory_space<hbm>>) dst(%dma_wait3A_38 : memref<640xf32, #tpu.memory_space<vmem_shared>>)
      tpu.yield
    }) : () -> ()
    "tpu.region"() ({
      %run_scoped3A = tpu.sem_alloc : memref<!tpu.dma_semaphore, #tpu.memory_space<semaphore_mem>>
      tpu.enqueue_dma source(%arg3 : memref<80xf32, #tpu.memory_space<hbm>>) target(%arg7 : memref<80xf32, #tpu.memory_space<vmem>>) target_semaphore(%run_scoped3A : memref<!tpu.dma_semaphore, #tpu.memory_space<semaphore_mem>>)
      tpu.wait_dma2 semaphore(%run_scoped3A : memref<!tpu.dma_semaphore, #tpu.memory_space<semaphore_mem>>) src(%arg3 : memref<80xf32, #tpu.memory_space<hbm>>) dst(%arg7 : memref<80xf32, #tpu.memory_space<vmem>>)
      tpu.yield
    }) : () -> ()
    "tpu.region"() ({
      %run_scoped3A = tpu.sem_alloc : memref<!tpu.dma_semaphore, #tpu.memory_space<semaphore_mem>>
      %dma_start3A = arith.constant 0 : i32
      %dma_start3A_38 = arith.constant 0 : i32
      %dma_start3A_39 = tpu.memref_slice %arg2[%add3A, %dma_start3A, %dma_start3A_38] : memref<32x125x80xi32, #tpu.memory_space<hbm>> -> memref<1x125x80xi32, #tpu.memory_space<hbm>>
      %dma_start3A_40 = tpu.memref_squeeze %dma_start3A_39 : memref<1x125x80xi32, #tpu.memory_space<hbm>> -> memref<125x80xi32, #tpu.memory_space<hbm>>
      %dma_start3A_41 = arith.constant 0 : i32
      %dma_start3A_42 = arith.constant 0 : i32
      %dma_start3A_43 = tpu.memref_slice %arg2[%add3A, %dma_start3A_41, %dma_start3A_42] : memref<32x125x80xi32, #tpu.memory_space<hbm>> -> memref<1x125x80xi32, #tpu.memory_space<hbm>>
      %dma_start3A_44 = tpu.memref_squeeze %dma_start3A_43 : memref<1x125x80xi32, #tpu.memory_space<hbm>> -> memref<125x80xi32, #tpu.memory_space<hbm>>
      tpu.enqueue_dma source(%dma_start3A_44 : memref<125x80xi32, #tpu.memory_space<hbm>>) target(%arg6 : memref<125x80xi32, #tpu.memory_space<vmem>>) target_semaphore(%run_scoped3A : memref<!tpu.dma_semaphore, #tpu.memory_space<semaphore_mem>>)
      %dma_wait3A_45 = arith.constant 0 : i32
      %dma_wait3A_46 = arith.constant 0 : i32
      %dma_wait3A_47 = tpu.memref_slice %arg2[%add3A, %dma_wait3A_45, %dma_wait3A_46] : memref<32x125x80xi32, #tpu.memory_space<hbm>> -> memref<1x125x80xi32, #tpu.memory_space<hbm>>
      %dma_wait3A_48 = tpu.memref_squeeze %dma_wait3A_47 : memref<1x125x80xi32, #tpu.memory_space<hbm>> -> memref<125x80xi32, #tpu.memory_space<hbm>>
      %dma_wait3A_49 = arith.constant 0 : i32
      %dma_wait3A_50 = arith.constant 0 : i32
      %dma_wait3A_51 = tpu.memref_slice %arg2[%add3A, %dma_wait3A_49, %dma_wait3A_50] : memref<32x125x80xi32, #tpu.memory_space<hbm>> -> memref<1x125x80xi32, #tpu.memory_space<hbm>>
      %dma_wait3A_52 = tpu.memref_squeeze %dma_wait3A_51 : memref<1x125x80xi32, #tpu.memory_space<hbm>> -> memref<125x80xi32, #tpu.memory_space<hbm>>
      tpu.wait_dma2 semaphore(%run_scoped3A : memref<!tpu.dma_semaphore, #tpu.memory_space<semaphore_mem>>) src(%dma_wait3A_52 : memref<125x80xi32, #tpu.memory_space<hbm>>) dst(%arg6 : memref<125x80xi32, #tpu.memory_space<vmem>>)
      tpu.yield
    }) : () -> ()
    %barrier3A = arith.constant 0 : index
    tpu.barrier barrier_id(%barrier3A)
    %scan3A = arith.constant 0 : i32
    %scan3A_3 = arith.constant 125 : i32
    %scan3A_4 = arith.addi %scan3A, %scan3A_3 : i32
    %scan3A_5 = arith.constant 1 : i32
    scf.for %scan3A_38 = %scan3A to %scan3A_4 step %scan3A_5  : i32 {
      %mul3A_39 = arith.constant 1 : i32
      %mul3A_40 = arith.muli %scan3A_38, %mul3A_39 : i32
      %add3A_41 = arith.constant 0 : i32
      %add3A_42 = arith.addi %add3A_41, %mul3A_40 : i32
      %ge3A = arith.constant 3 : i32
      %ge3A_43 = arith.cmpi sge, %add3A_42, %ge3A : i32
      %convert_element_type3A = arith.extui %ge3A_43 : i1 to i32
      %cond3A = arith.constant 0 : i32
      %cond3A_44 = arith.cmpi ne, %convert_element_type3A, %cond3A : i32
      scf.if %cond3A_44 {
        %rem3A_52 = arith.constant 3 : i32
        %rem3A_53 = arith.remsi %add3A_42, %rem3A_52 : i32
        %sub3A = arith.constant 3 : i32
        %sub3A_54 = arith.subi %add3A_42, %sub3A : i32
        %dma_wait3A_55 = arith.constant 0 : i32
        %dma_wait3A_56 = tpu.memref_slice %arg6[%sub3A_54, %dma_wait3A_55] : memref<125x80xi32, #tpu.memory_space<vmem>> -> memref<1x80xi32, #tpu.memory_space<vmem>>
        %dma_wait3A_57 = tpu.memref_squeeze %dma_wait3A_56 : memref<1x80xi32, #tpu.memory_space<vmem>> -> memref<80xi32, #tpu.memory_space<vmem>>
        %dma_wait3A_58 = arith.constant 0 : i32
        %dma_wait3A_59 = tpu.memref_slice %arg8[%dma_wait3A_58] : memref<10240xf32, #tpu.memory_space<vmem_shared>> -> memref<10240xf32, #tpu.memory_space<vmem_shared>>
        %dma_wait3A_60 = tpu.memref_slice %arg9[%rem3A_53] : memref<3x!tpu.dma_semaphore, #tpu.memory_space<semaphore_mem>> -> memref<1x!tpu.dma_semaphore, #tpu.memory_space<semaphore_mem>>
        %dma_wait3A_61 = tpu.memref_squeeze %dma_wait3A_60 : memref<1x!tpu.dma_semaphore, #tpu.memory_space<semaphore_mem>> -> memref<!tpu.dma_semaphore, #tpu.memory_space<semaphore_mem>>
        tpu.wait_indirect_dma semaphore(%dma_wait3A_61 : memref<!tpu.dma_semaphore, #tpu.memory_space<semaphore_mem>>) src(%arg7 : memref<80xf32, #tpu.memory_space<vmem>>) dst(%dma_wait3A_59 : memref<10240xf32, #tpu.memory_space<vmem_shared>>)
      } else {
      }
      %rem3A = arith.constant 3 : i32
      %rem3A_45 = arith.remsi %add3A_42, %rem3A : i32
      %dma_start3A = arith.constant 0 : i32
      %dma_start3A_46 = tpu.memref_slice %arg6[%add3A_42, %dma_start3A] : memref<125x80xi32, #tpu.memory_space<vmem>> -> memref<1x80xi32, #tpu.memory_space<vmem>>
      %dma_start3A_47 = tpu.memref_squeeze %dma_start3A_46 : memref<1x80xi32, #tpu.memory_space<vmem>> -> memref<80xi32, #tpu.memory_space<vmem>>
      %dma_start3A_48 = arith.constant 0 : i32
      %dma_start3A_49 = tpu.memref_slice %arg8[%dma_start3A_48] : memref<10240xf32, #tpu.memory_space<vmem_shared>> -> memref<10240xf32, #tpu.memory_space<vmem_shared>>
      %dma_start3A_50 = tpu.memref_slice %arg9[%rem3A_45] : memref<3x!tpu.dma_semaphore, #tpu.memory_space<semaphore_mem>> -> memref<1x!tpu.dma_semaphore, #tpu.memory_space<semaphore_mem>>
      %dma_start3A_51 = tpu.memref_squeeze %dma_start3A_50 : memref<1x!tpu.dma_semaphore, #tpu.memory_space<semaphore_mem>> -> memref<!tpu.dma_semaphore, #tpu.memory_space<semaphore_mem>>
      tpu.enqueue_indirect_dma source(%arg7 : memref<80xf32, #tpu.memory_space<vmem>>) target(%dma_start3A_49 : memref<10240xf32, #tpu.memory_space<vmem_shared>>) offsets(%dma_start3A_47 : memref<80xi32, #tpu.memory_space<vmem>>) semaphore(%dma_start3A_51 : memref<!tpu.dma_semaphore, #tpu.memory_space<semaphore_mem>>) {add = true}
    }
    %scan3A_6 = arith.constant 125 : i32
    %dma_wait3A = arith.constant 122 : i32
    %dma_wait3A_7 = arith.constant 2 : i32
    %dma_wait3A_8 = arith.constant 0 : i32
    %dma_wait3A_9 = tpu.memref_slice %arg6[%dma_wait3A, %dma_wait3A_8] : memref<125x80xi32, #tpu.memory_space<vmem>> -> memref<1x80xi32, #tpu.memory_space<vmem>>
    %dma_wait3A_10 = tpu.memref_squeeze %dma_wait3A_9 : memref<1x80xi32, #tpu.memory_space<vmem>> -> memref<80xi32, #tpu.memory_space<vmem>>
    %dma_wait3A_11 = arith.constant 0 : i32
    %dma_wait3A_12 = tpu.memref_slice %arg8[%dma_wait3A_11] : memref<10240xf32, #tpu.memory_space<vmem_shared>> -> memref<10240xf32, #tpu.memory_space<vmem_shared>>
    %dma_wait3A_13 = tpu.memref_slice %arg9[%dma_wait3A_7] : memref<3x!tpu.dma_semaphore, #tpu.memory_space<semaphore_mem>> -> memref<1x!tpu.dma_semaphore, #tpu.memory_space<semaphore_mem>>
    %dma_wait3A_14 = tpu.memref_squeeze %dma_wait3A_13 : memref<1x!tpu.dma_semaphore, #tpu.memory_space<semaphore_mem>> -> memref<!tpu.dma_semaphore, #tpu.memory_space<semaphore_mem>>
    tpu.wait_indirect_dma semaphore(%dma_wait3A_14 : memref<!tpu.dma_semaphore, #tpu.memory_space<semaphore_mem>>) src(%arg7 : memref<80xf32, #tpu.memory_space<vmem>>) dst(%dma_wait3A_12 : memref<10240xf32, #tpu.memory_space<vmem_shared>>)
    %dma_wait3A_15 = arith.constant 123 : i32
    %dma_wait3A_16 = arith.constant 0 : i32
    %dma_wait3A_17 = arith.constant 0 : i32
    %dma_wait3A_18 = tpu.memref_slice %arg6[%dma_wait3A_15, %dma_wait3A_17] : memref<125x80xi32, #tpu.memory_space<vmem>> -> memref<1x80xi32, #tpu.memory_space<vmem>>
    %dma_wait3A_19 = tpu.memref_squeeze %dma_wait3A_18 : memref<1x80xi32, #tpu.memory_space<vmem>> -> memref<80xi32, #tpu.memory_space<vmem>>
    %dma_wait3A_20 = arith.constant 0 : i32
    %dma_wait3A_21 = tpu.memref_slice %arg8[%dma_wait3A_20] : memref<10240xf32, #tpu.memory_space<vmem_shared>> -> memref<10240xf32, #tpu.memory_space<vmem_shared>>
    %dma_wait3A_22 = tpu.memref_slice %arg9[%dma_wait3A_16] : memref<3x!tpu.dma_semaphore, #tpu.memory_space<semaphore_mem>> -> memref<1x!tpu.dma_semaphore, #tpu.memory_space<semaphore_mem>>
    %dma_wait3A_23 = tpu.memref_squeeze %dma_wait3A_22 : memref<1x!tpu.dma_semaphore, #tpu.memory_space<semaphore_mem>> -> memref<!tpu.dma_semaphore, #tpu.memory_space<semaphore_mem>>
    tpu.wait_indirect_dma semaphore(%dma_wait3A_23 : memref<!tpu.dma_semaphore, #tpu.memory_space<semaphore_mem>>) src(%arg7 : memref<80xf32, #tpu.memory_space<vmem>>) dst(%dma_wait3A_21 : memref<10240xf32, #tpu.memory_space<vmem_shared>>)
    %dma_wait3A_24 = arith.constant 124 : i32
    %dma_wait3A_25 = arith.constant 1 : i32
    %dma_wait3A_26 = arith.constant 0 : i32
    %dma_wait3A_27 = tpu.memref_slice %arg6[%dma_wait3A_24, %dma_wait3A_26] : memref<125x80xi32, #tpu.memory_space<vmem>> -> memref<1x80xi32, #tpu.memory_space<vmem>>
    %dma_wait3A_28 = tpu.memref_squeeze %dma_wait3A_27 : memref<1x80xi32, #tpu.memory_space<vmem>> -> memref<80xi32, #tpu.memory_space<vmem>>
    %dma_wait3A_29 = arith.constant 0 : i32
    %dma_wait3A_30 = tpu.memref_slice %arg8[%dma_wait3A_29] : memref<10240xf32, #tpu.memory_space<vmem_shared>> -> memref<10240xf32, #tpu.memory_space<vmem_shared>>
    %dma_wait3A_31 = tpu.memref_slice %arg9[%dma_wait3A_25] : memref<3x!tpu.dma_semaphore, #tpu.memory_space<semaphore_mem>> -> memref<1x!tpu.dma_semaphore, #tpu.memory_space<semaphore_mem>>
    %dma_wait3A_32 = tpu.memref_squeeze %dma_wait3A_31 : memref<1x!tpu.dma_semaphore, #tpu.memory_space<semaphore_mem>> -> memref<!tpu.dma_semaphore, #tpu.memory_space<semaphore_mem>>
    tpu.wait_indirect_dma semaphore(%dma_wait3A_32 : memref<!tpu.dma_semaphore, #tpu.memory_space<semaphore_mem>>) src(%arg7 : memref<80xf32, #tpu.memory_space<vmem>>) dst(%dma_wait3A_30 : memref<10240xf32, #tpu.memory_space<vmem_shared>>)
    %barrier3A_33 = arith.constant 0 : index
    tpu.barrier barrier_id(%barrier3A_33)
    %mul3A_34 = arith.constant 640 : i32
    %mul3A_35 = arith.muli %arg1, %mul3A_34 : i32
    %mul3A_36 = arith.constant 640 : i32
    %mul3A_37 = arith.muli %arg1, %mul3A_36 : i32
    "tpu.region"() ({
      %run_scoped3A = tpu.sem_alloc : memref<!tpu.dma_semaphore, #tpu.memory_space<semaphore_mem>>
      %dma_start3A = tpu.memref_slice %arg5[%arg0, %mul3A_37] : memref<2x10240xf32, #tpu.memory_space<hbm>> -> memref<1x640xf32, #tpu.memory_space<hbm>>
      %dma_start3A_38 = tpu.memref_squeeze %dma_start3A : memref<1x640xf32, #tpu.memory_space<hbm>> -> memref<640xf32, #tpu.memory_space<hbm>>
      %dma_start3A_39 = tpu.memref_slice %arg8[%mul3A_35] : memref<10240xf32, #tpu.memory_space<vmem_shared>> -> memref<640xf32, #tpu.memory_space<vmem_shared>>
      tpu.enqueue_dma source(%dma_start3A_39 : memref<640xf32, #tpu.memory_space<vmem_shared>>) target(%dma_start3A_38 : memref<640xf32, #tpu.memory_space<hbm>>) target_semaphore(%run_scoped3A : memref<!tpu.dma_semaphore, #tpu.memory_space<semaphore_mem>>)
      %dma_wait3A_40 = tpu.memref_slice %arg5[%arg0, %mul3A_37] : memref<2x10240xf32, #tpu.memory_space<hbm>> -> memref<1x640xf32, #tpu.memory_space<hbm>>
      %dma_wait3A_41 = tpu.memref_squeeze %dma_wait3A_40 : memref<1x640xf32, #tpu.memory_space<hbm>> -> memref<640xf32, #tpu.memory_space<hbm>>
      %dma_wait3A_42 = tpu.memref_slice %arg8[%mul3A_35] : memref<10240xf32, #tpu.memory_space<vmem_shared>> -> memref<640xf32, #tpu.memory_space<vmem_shared>>
      tpu.wait_dma2 semaphore(%run_scoped3A : memref<!tpu.dma_semaphore, #tpu.memory_space<semaphore_mem>>) src(%dma_wait3A_42 : memref<640xf32, #tpu.memory_space<vmem_shared>>) dst(%dma_wait3A_41 : memref<640xf32, #tpu.memory_space<hbm>>)
      tpu.yield
    }) : () -> ()
    return
  }
}

#map = affine_map<(d0, d1) -> (0, 0)>
#map1 = affine_map<(d0, d1) -> (0, 0, 0)>
module attributes {stable_mosaic.version = 14 : i64} {
  func.func @_agg_kernel(%arg0: i32, %arg1: i32, %arg2: memref<10000x128xf32, #tpu.memory_space<hbm>>, %arg3: memref<32x125x80xi32, #tpu.memory_space<hbm>>, %arg4: memref<32x125x80xi32, #tpu.memory_space<hbm>>, %arg5: memref<640x128xf32, #tpu.memory_space<hbm>>, %arg6: memref<2x10240x128xf32, #tpu.memory_space<hbm>>, %arg7: memref<4x80xi32, #tpu.memory_space<vmem>>, %arg8: memref<4x80xi32, #tpu.memory_space<vmem>>, %arg9: memref<3x80x128xf32, #tpu.memory_space<vmem>>, %arg10: memref<10240x128xf32, #tpu.memory_space<vmem_shared>>, %arg11: memref<4x!tpu.dma_semaphore, #tpu.memory_space<semaphore_mem>>, %arg12: memref<4x!tpu.dma_semaphore, #tpu.memory_space<semaphore_mem>>, %arg13: memref<3x!tpu.dma_semaphore, #tpu.memory_space<semaphore_mem>>, %arg14: memref<3x!tpu.dma_semaphore, #tpu.memory_space<semaphore_mem>>) attributes {dimension_semantics = [#tpu.dimension_semantics<core_parallel>, #tpu.dimension_semantics<subcore_parallel>], iteration_bounds = array<i64: 2, 16>, scalar_prefetch = 0 : i64, scratch_operands = 8 : i64, tpu.core_type = #tpu.core_type<sc_vector_subcore>, window_params = [{transform_indices = #map}, {transform_indices = #map1}, {transform_indices = #map1}, {transform_indices = #map}, {transform_indices = #map1}]} {
    %mul3A = arith.constant 16 : i32
    %mul3A_0 = arith.muli %arg0, %mul3A : i32
    %add3A = arith.addi %mul3A_0, %arg1 : i32
    %mul3A_1 = arith.constant 640 : i32
    %mul3A_2 = arith.muli %arg1, %mul3A_1 : i32
    "tpu.region"() ({
      %run_scoped3A = tpu.sem_alloc : memref<!tpu.dma_semaphore, #tpu.memory_space<semaphore_mem>>
      %dma_start3A_187 = arith.constant 0 : i32
      %dma_start3A_188 = tpu.memref_slice %arg10[%mul3A_2, %dma_start3A_187] : memref<10240x128xf32, #tpu.memory_space<vmem_shared>> -> memref<640x128xf32, #tpu.memory_space<vmem_shared>>
      tpu.enqueue_dma source(%arg5 : memref<640x128xf32, #tpu.memory_space<hbm>>) target(%dma_start3A_188 : memref<640x128xf32, #tpu.memory_space<vmem_shared>>) target_semaphore(%run_scoped3A : memref<!tpu.dma_semaphore, #tpu.memory_space<semaphore_mem>>)
      %dma_wait3A_189 = arith.constant 0 : i32
      %dma_wait3A_190 = tpu.memref_slice %arg10[%mul3A_2, %dma_wait3A_189] : memref<10240x128xf32, #tpu.memory_space<vmem_shared>> -> memref<640x128xf32, #tpu.memory_space<vmem_shared>>
      tpu.wait_dma2 semaphore(%run_scoped3A : memref<!tpu.dma_semaphore, #tpu.memory_space<semaphore_mem>>) src(%arg5 : memref<640x128xf32, #tpu.memory_space<hbm>>) dst(%dma_wait3A_190 : memref<640x128xf32, #tpu.memory_space<vmem_shared>>)
      tpu.yield
    }) : () -> ()
    %and3A = arith.constant 0 : i32
    %and3A_3 = arith.constant 3 : i32
    %and3A_4 = arith.andi %and3A, %and3A_3 : i32
    %dma_start3A = arith.constant 0 : i32
    %dma_start3A_5 = arith.constant 0 : i32
    %dma_start3A_6 = tpu.memref_slice %arg7[%and3A_4, %dma_start3A_5] : memref<4x80xi32, #tpu.memory_space<vmem>> -> memref<1x80xi32, #tpu.memory_space<vmem>>
    %dma_start3A_7 = tpu.memref_squeeze %dma_start3A_6 : memref<1x80xi32, #tpu.memory_space<vmem>> -> memref<80xi32, #tpu.memory_space<vmem>>
    %dma_start3A_8 = arith.constant 0 : i32
    %dma_start3A_9 = tpu.memref_slice %arg3[%add3A, %dma_start3A, %dma_start3A_8] : memref<32x125x80xi32, #tpu.memory_space<hbm>> -> memref<1x1x80xi32, #tpu.memory_space<hbm>>
    %dma_start3A_10 = tpu.memref_squeeze %dma_start3A_9 : memref<1x1x80xi32, #tpu.memory_space<hbm>> -> memref<80xi32, #tpu.memory_space<hbm>>
    %dma_start3A_11 = tpu.memref_slice %arg11[%and3A_4] : memref<4x!tpu.dma_semaphore, #tpu.memory_space<semaphore_mem>> -> memref<1x!tpu.dma_semaphore, #tpu.memory_space<semaphore_mem>>
    %dma_start3A_12 = tpu.memref_squeeze %dma_start3A_11 : memref<1x!tpu.dma_semaphore, #tpu.memory_space<semaphore_mem>> -> memref<!tpu.dma_semaphore, #tpu.memory_space<semaphore_mem>>
    %dma_start3A_13 = arith.constant 0 : i32
    %dma_start3A_14 = tpu.memref_slice %arg7[%and3A_4, %dma_start3A_13] : memref<4x80xi32, #tpu.memory_space<vmem>> -> memref<1x80xi32, #tpu.memory_space<vmem>>
    %dma_start3A_15 = tpu.memref_squeeze %dma_start3A_14 : memref<1x80xi32, #tpu.memory_space<vmem>> -> memref<80xi32, #tpu.memory_space<vmem>>
    %dma_start3A_16 = arith.constant 0 : i32
    %dma_start3A_17 = tpu.memref_slice %arg3[%add3A, %dma_start3A, %dma_start3A_16] : memref<32x125x80xi32, #tpu.memory_space<hbm>> -> memref<1x1x80xi32, #tpu.memory_space<hbm>>
    %dma_start3A_18 = tpu.memref_squeeze %dma_start3A_17 : memref<1x1x80xi32, #tpu.memory_space<hbm>> -> memref<80xi32, #tpu.memory_space<hbm>>
    tpu.enqueue_dma source(%dma_start3A_18 : memref<80xi32, #tpu.memory_space<hbm>>) target(%dma_start3A_15 : memref<80xi32, #tpu.memory_space<vmem>>) target_semaphore(%dma_start3A_12 : memref<!tpu.dma_semaphore, #tpu.memory_space<semaphore_mem>>)
    %dma_start3A_19 = arith.constant 0 : i32
    %dma_start3A_20 = arith.constant 0 : i32
    %dma_start3A_21 = tpu.memref_slice %arg8[%and3A_4, %dma_start3A_20] : memref<4x80xi32, #tpu.memory_space<vmem>> -> memref<1x80xi32, #tpu.memory_space<vmem>>
    %dma_start3A_22 = tpu.memref_squeeze %dma_start3A_21 : memref<1x80xi32, #tpu.memory_space<vmem>> -> memref<80xi32, #tpu.memory_space<vmem>>
    %dma_start3A_23 = arith.constant 0 : i32
    %dma_start3A_24 = tpu.memref_slice %arg4[%add3A, %dma_start3A_19, %dma_start3A_23] : memref<32x125x80xi32, #tpu.memory_space<hbm>> -> memref<1x1x80xi32, #tpu.memory_space<hbm>>
    %dma_start3A_25 = tpu.memref_squeeze %dma_start3A_24 : memref<1x1x80xi32, #tpu.memory_space<hbm>> -> memref<80xi32, #tpu.memory_space<hbm>>
    %dma_start3A_26 = tpu.memref_slice %arg12[%and3A_4] : memref<4x!tpu.dma_semaphore, #tpu.memory_space<semaphore_mem>> -> memref<1x!tpu.dma_semaphore, #tpu.memory_space<semaphore_mem>>
    %dma_start3A_27 = tpu.memref_squeeze %dma_start3A_26 : memref<1x!tpu.dma_semaphore, #tpu.memory_space<semaphore_mem>> -> memref<!tpu.dma_semaphore, #tpu.memory_space<semaphore_mem>>
    %dma_start3A_28 = arith.constant 0 : i32
    %dma_start3A_29 = tpu.memref_slice %arg8[%and3A_4, %dma_start3A_28] : memref<4x80xi32, #tpu.memory_space<vmem>> -> memref<1x80xi32, #tpu.memory_space<vmem>>
    %dma_start3A_30 = tpu.memref_squeeze %dma_start3A_29 : memref<1x80xi32, #tpu.memory_space<vmem>> -> memref<80xi32, #tpu.memory_space<vmem>>
    %dma_start3A_31 = arith.constant 0 : i32
    %dma_start3A_32 = tpu.memref_slice %arg4[%add3A, %dma_start3A_19, %dma_start3A_31] : memref<32x125x80xi32, #tpu.memory_space<hbm>> -> memref<1x1x80xi32, #tpu.memory_space<hbm>>
    %dma_start3A_33 = tpu.memref_squeeze %dma_start3A_32 : memref<1x1x80xi32, #tpu.memory_space<hbm>> -> memref<80xi32, #tpu.memory_space<hbm>>
    tpu.enqueue_dma source(%dma_start3A_33 : memref<80xi32, #tpu.memory_space<hbm>>) target(%dma_start3A_30 : memref<80xi32, #tpu.memory_space<vmem>>) target_semaphore(%dma_start3A_27 : memref<!tpu.dma_semaphore, #tpu.memory_space<semaphore_mem>>)
    %and3A_34 = arith.constant 1 : i32
    %and3A_35 = arith.constant 3 : i32
    %and3A_36 = arith.andi %and3A_34, %and3A_35 : i32
    %dma_start3A_37 = arith.constant 1 : i32
    %dma_start3A_38 = arith.constant 0 : i32
    %dma_start3A_39 = tpu.memref_slice %arg7[%and3A_36, %dma_start3A_38] : memref<4x80xi32, #tpu.memory_space<vmem>> -> memref<1x80xi32, #tpu.memory_space<vmem>>
    %dma_start3A_40 = tpu.memref_squeeze %dma_start3A_39 : memref<1x80xi32, #tpu.memory_space<vmem>> -> memref<80xi32, #tpu.memory_space<vmem>>
    %dma_start3A_41 = arith.constant 0 : i32
    %dma_start3A_42 = tpu.memref_slice %arg3[%add3A, %dma_start3A_37, %dma_start3A_41] : memref<32x125x80xi32, #tpu.memory_space<hbm>> -> memref<1x1x80xi32, #tpu.memory_space<hbm>>
    %dma_start3A_43 = tpu.memref_squeeze %dma_start3A_42 : memref<1x1x80xi32, #tpu.memory_space<hbm>> -> memref<80xi32, #tpu.memory_space<hbm>>
    %dma_start3A_44 = tpu.memref_slice %arg11[%and3A_36] : memref<4x!tpu.dma_semaphore, #tpu.memory_space<semaphore_mem>> -> memref<1x!tpu.dma_semaphore, #tpu.memory_space<semaphore_mem>>
    %dma_start3A_45 = tpu.memref_squeeze %dma_start3A_44 : memref<1x!tpu.dma_semaphore, #tpu.memory_space<semaphore_mem>> -> memref<!tpu.dma_semaphore, #tpu.memory_space<semaphore_mem>>
    %dma_start3A_46 = arith.constant 0 : i32
    %dma_start3A_47 = tpu.memref_slice %arg7[%and3A_36, %dma_start3A_46] : memref<4x80xi32, #tpu.memory_space<vmem>> -> memref<1x80xi32, #tpu.memory_space<vmem>>
    %dma_start3A_48 = tpu.memref_squeeze %dma_start3A_47 : memref<1x80xi32, #tpu.memory_space<vmem>> -> memref<80xi32, #tpu.memory_space<vmem>>
    %dma_start3A_49 = arith.constant 0 : i32
    %dma_start3A_50 = tpu.memref_slice %arg3[%add3A, %dma_start3A_37, %dma_start3A_49] : memref<32x125x80xi32, #tpu.memory_space<hbm>> -> memref<1x1x80xi32, #tpu.memory_space<hbm>>
    %dma_start3A_51 = tpu.memref_squeeze %dma_start3A_50 : memref<1x1x80xi32, #tpu.memory_space<hbm>> -> memref<80xi32, #tpu.memory_space<hbm>>
    tpu.enqueue_dma source(%dma_start3A_51 : memref<80xi32, #tpu.memory_space<hbm>>) target(%dma_start3A_48 : memref<80xi32, #tpu.memory_space<vmem>>) target_semaphore(%dma_start3A_45 : memref<!tpu.dma_semaphore, #tpu.memory_space<semaphore_mem>>)
    %dma_start3A_52 = arith.constant 1 : i32
    %dma_start3A_53 = arith.constant 0 : i32
    %dma_start3A_54 = tpu.memref_slice %arg8[%and3A_36, %dma_start3A_53] : memref<4x80xi32, #tpu.memory_space<vmem>> -> memref<1x80xi32, #tpu.memory_space<vmem>>
    %dma_start3A_55 = tpu.memref_squeeze %dma_start3A_54 : memref<1x80xi32, #tpu.memory_space<vmem>> -> memref<80xi32, #tpu.memory_space<vmem>>
    %dma_start3A_56 = arith.constant 0 : i32
    %dma_start3A_57 = tpu.memref_slice %arg4[%add3A, %dma_start3A_52, %dma_start3A_56] : memref<32x125x80xi32, #tpu.memory_space<hbm>> -> memref<1x1x80xi32, #tpu.memory_space<hbm>>
    %dma_start3A_58 = tpu.memref_squeeze %dma_start3A_57 : memref<1x1x80xi32, #tpu.memory_space<hbm>> -> memref<80xi32, #tpu.memory_space<hbm>>
    %dma_start3A_59 = tpu.memref_slice %arg12[%and3A_36] : memref<4x!tpu.dma_semaphore, #tpu.memory_space<semaphore_mem>> -> memref<1x!tpu.dma_semaphore, #tpu.memory_space<semaphore_mem>>
    %dma_start3A_60 = tpu.memref_squeeze %dma_start3A_59 : memref<1x!tpu.dma_semaphore, #tpu.memory_space<semaphore_mem>> -> memref<!tpu.dma_semaphore, #tpu.memory_space<semaphore_mem>>
    %dma_start3A_61 = arith.constant 0 : i32
    %dma_start3A_62 = tpu.memref_slice %arg8[%and3A_36, %dma_start3A_61] : memref<4x80xi32, #tpu.memory_space<vmem>> -> memref<1x80xi32, #tpu.memory_space<vmem>>
    %dma_start3A_63 = tpu.memref_squeeze %dma_start3A_62 : memref<1x80xi32, #tpu.memory_space<vmem>> -> memref<80xi32, #tpu.memory_space<vmem>>
    %dma_start3A_64 = arith.constant 0 : i32
    %dma_start3A_65 = tpu.memref_slice %arg4[%add3A, %dma_start3A_52, %dma_start3A_64] : memref<32x125x80xi32, #tpu.memory_space<hbm>> -> memref<1x1x80xi32, #tpu.memory_space<hbm>>
    %dma_start3A_66 = tpu.memref_squeeze %dma_start3A_65 : memref<1x1x80xi32, #tpu.memory_space<hbm>> -> memref<80xi32, #tpu.memory_space<hbm>>
    tpu.enqueue_dma source(%dma_start3A_66 : memref<80xi32, #tpu.memory_space<hbm>>) target(%dma_start3A_63 : memref<80xi32, #tpu.memory_space<vmem>>) target_semaphore(%dma_start3A_60 : memref<!tpu.dma_semaphore, #tpu.memory_space<semaphore_mem>>)
    %and3A_67 = arith.constant 2 : i32
    %and3A_68 = arith.constant 3 : i32
    %and3A_69 = arith.andi %and3A_67, %and3A_68 : i32
    %dma_start3A_70 = arith.constant 2 : i32
    %dma_start3A_71 = arith.constant 0 : i32
    %dma_start3A_72 = tpu.memref_slice %arg7[%and3A_69, %dma_start3A_71] : memref<4x80xi32, #tpu.memory_space<vmem>> -> memref<1x80xi32, #tpu.memory_space<vmem>>
    %dma_start3A_73 = tpu.memref_squeeze %dma_start3A_72 : memref<1x80xi32, #tpu.memory_space<vmem>> -> memref<80xi32, #tpu.memory_space<vmem>>
    %dma_start3A_74 = arith.constant 0 : i32
    %dma_start3A_75 = tpu.memref_slice %arg3[%add3A, %dma_start3A_70, %dma_start3A_74] : memref<32x125x80xi32, #tpu.memory_space<hbm>> -> memref<1x1x80xi32, #tpu.memory_space<hbm>>
    %dma_start3A_76 = tpu.memref_squeeze %dma_start3A_75 : memref<1x1x80xi32, #tpu.memory_space<hbm>> -> memref<80xi32, #tpu.memory_space<hbm>>
    %dma_start3A_77 = tpu.memref_slice %arg11[%and3A_69] : memref<4x!tpu.dma_semaphore, #tpu.memory_space<semaphore_mem>> -> memref<1x!tpu.dma_semaphore, #tpu.memory_space<semaphore_mem>>
    %dma_start3A_78 = tpu.memref_squeeze %dma_start3A_77 : memref<1x!tpu.dma_semaphore, #tpu.memory_space<semaphore_mem>> -> memref<!tpu.dma_semaphore, #tpu.memory_space<semaphore_mem>>
    %dma_start3A_79 = arith.constant 0 : i32
    %dma_start3A_80 = tpu.memref_slice %arg7[%and3A_69, %dma_start3A_79] : memref<4x80xi32, #tpu.memory_space<vmem>> -> memref<1x80xi32, #tpu.memory_space<vmem>>
    %dma_start3A_81 = tpu.memref_squeeze %dma_start3A_80 : memref<1x80xi32, #tpu.memory_space<vmem>> -> memref<80xi32, #tpu.memory_space<vmem>>
    %dma_start3A_82 = arith.constant 0 : i32
    %dma_start3A_83 = tpu.memref_slice %arg3[%add3A, %dma_start3A_70, %dma_start3A_82] : memref<32x125x80xi32, #tpu.memory_space<hbm>> -> memref<1x1x80xi32, #tpu.memory_space<hbm>>
    %dma_start3A_84 = tpu.memref_squeeze %dma_start3A_83 : memref<1x1x80xi32, #tpu.memory_space<hbm>> -> memref<80xi32, #tpu.memory_space<hbm>>
    tpu.enqueue_dma source(%dma_start3A_84 : memref<80xi32, #tpu.memory_space<hbm>>) target(%dma_start3A_81 : memref<80xi32, #tpu.memory_space<vmem>>) target_semaphore(%dma_start3A_78 : memref<!tpu.dma_semaphore, #tpu.memory_space<semaphore_mem>>)
    %dma_start3A_85 = arith.constant 2 : i32
    %dma_start3A_86 = arith.constant 0 : i32
    %dma_start3A_87 = tpu.memref_slice %arg8[%and3A_69, %dma_start3A_86] : memref<4x80xi32, #tpu.memory_space<vmem>> -> memref<1x80xi32, #tpu.memory_space<vmem>>
    %dma_start3A_88 = tpu.memref_squeeze %dma_start3A_87 : memref<1x80xi32, #tpu.memory_space<vmem>> -> memref<80xi32, #tpu.memory_space<vmem>>
    %dma_start3A_89 = arith.constant 0 : i32
    %dma_start3A_90 = tpu.memref_slice %arg4[%add3A, %dma_start3A_85, %dma_start3A_89] : memref<32x125x80xi32, #tpu.memory_space<hbm>> -> memref<1x1x80xi32, #tpu.memory_space<hbm>>
    %dma_start3A_91 = tpu.memref_squeeze %dma_start3A_90 : memref<1x1x80xi32, #tpu.memory_space<hbm>> -> memref<80xi32, #tpu.memory_space<hbm>>
    %dma_start3A_92 = tpu.memref_slice %arg12[%and3A_69] : memref<4x!tpu.dma_semaphore, #tpu.memory_space<semaphore_mem>> -> memref<1x!tpu.dma_semaphore, #tpu.memory_space<semaphore_mem>>
    %dma_start3A_93 = tpu.memref_squeeze %dma_start3A_92 : memref<1x!tpu.dma_semaphore, #tpu.memory_space<semaphore_mem>> -> memref<!tpu.dma_semaphore, #tpu.memory_space<semaphore_mem>>
    %dma_start3A_94 = arith.constant 0 : i32
    %dma_start3A_95 = tpu.memref_slice %arg8[%and3A_69, %dma_start3A_94] : memref<4x80xi32, #tpu.memory_space<vmem>> -> memref<1x80xi32, #tpu.memory_space<vmem>>
    %dma_start3A_96 = tpu.memref_squeeze %dma_start3A_95 : memref<1x80xi32, #tpu.memory_space<vmem>> -> memref<80xi32, #tpu.memory_space<vmem>>
    %dma_start3A_97 = arith.constant 0 : i32
    %dma_start3A_98 = tpu.memref_slice %arg4[%add3A, %dma_start3A_85, %dma_start3A_97] : memref<32x125x80xi32, #tpu.memory_space<hbm>> -> memref<1x1x80xi32, #tpu.memory_space<hbm>>
    %dma_start3A_99 = tpu.memref_squeeze %dma_start3A_98 : memref<1x1x80xi32, #tpu.memory_space<hbm>> -> memref<80xi32, #tpu.memory_space<hbm>>
    tpu.enqueue_dma source(%dma_start3A_99 : memref<80xi32, #tpu.memory_space<hbm>>) target(%dma_start3A_96 : memref<80xi32, #tpu.memory_space<vmem>>) target_semaphore(%dma_start3A_93 : memref<!tpu.dma_semaphore, #tpu.memory_space<semaphore_mem>>)
    %and3A_100 = arith.constant 0 : i32
    %and3A_101 = arith.constant 3 : i32
    %and3A_102 = arith.andi %and3A_100, %and3A_101 : i32
    %dma_wait3A = arith.constant 0 : i32
    %dma_wait3A_103 = arith.constant 0 : i32
    %dma_wait3A_104 = tpu.memref_slice %arg7[%and3A_102, %dma_wait3A_103] : memref<4x80xi32, #tpu.memory_space<vmem>> -> memref<1x80xi32, #tpu.memory_space<vmem>>
    %dma_wait3A_105 = tpu.memref_squeeze %dma_wait3A_104 : memref<1x80xi32, #tpu.memory_space<vmem>> -> memref<80xi32, #tpu.memory_space<vmem>>
    %dma_wait3A_106 = arith.constant 0 : i32
    %dma_wait3A_107 = tpu.memref_slice %arg3[%add3A, %dma_wait3A, %dma_wait3A_106] : memref<32x125x80xi32, #tpu.memory_space<hbm>> -> memref<1x1x80xi32, #tpu.memory_space<hbm>>
    %dma_wait3A_108 = tpu.memref_squeeze %dma_wait3A_107 : memref<1x1x80xi32, #tpu.memory_space<hbm>> -> memref<80xi32, #tpu.memory_space<hbm>>
    %dma_wait3A_109 = tpu.memref_slice %arg11[%and3A_102] : memref<4x!tpu.dma_semaphore, #tpu.memory_space<semaphore_mem>> -> memref<1x!tpu.dma_semaphore, #tpu.memory_space<semaphore_mem>>
    %dma_wait3A_110 = tpu.memref_squeeze %dma_wait3A_109 : memref<1x!tpu.dma_semaphore, #tpu.memory_space<semaphore_mem>> -> memref<!tpu.dma_semaphore, #tpu.memory_space<semaphore_mem>>
    %dma_wait3A_111 = arith.constant 0 : i32
    %dma_wait3A_112 = tpu.memref_slice %arg7[%and3A_102, %dma_wait3A_111] : memref<4x80xi32, #tpu.memory_space<vmem>> -> memref<1x80xi32, #tpu.memory_space<vmem>>
    %dma_wait3A_113 = tpu.memref_squeeze %dma_wait3A_112 : memref<1x80xi32, #tpu.memory_space<vmem>> -> memref<80xi32, #tpu.memory_space<vmem>>
    %dma_wait3A_114 = arith.constant 0 : i32
    %dma_wait3A_115 = tpu.memref_slice %arg3[%add3A, %dma_wait3A, %dma_wait3A_114] : memref<32x125x80xi32, #tpu.memory_space<hbm>> -> memref<1x1x80xi32, #tpu.memory_space<hbm>>
    %dma_wait3A_116 = tpu.memref_squeeze %dma_wait3A_115 : memref<1x1x80xi32, #tpu.memory_space<hbm>> -> memref<80xi32, #tpu.memory_space<hbm>>
    tpu.wait_dma2 semaphore(%dma_wait3A_110 : memref<!tpu.dma_semaphore, #tpu.memory_space<semaphore_mem>>) src(%dma_wait3A_116 : memref<80xi32, #tpu.memory_space<hbm>>) dst(%dma_wait3A_113 : memref<80xi32, #tpu.memory_space<vmem>>)
    %dma_start3A_117 = arith.constant 0 : i32
    %dma_start3A_118 = arith.constant 0 : i32
    %dma_start3A_119 = arith.constant 0 : i32
    %dma_start3A_120 = arith.constant 0 : i32
    %dma_start3A_121 = tpu.memref_slice %arg9[%dma_start3A_117, %dma_start3A_119, %dma_start3A_120] : memref<3x80x128xf32, #tpu.memory_space<vmem>> -> memref<1x80x128xf32, #tpu.memory_space<vmem>>
    %dma_start3A_122 = tpu.memref_squeeze %dma_start3A_121 : memref<1x80x128xf32, #tpu.memory_space<vmem>> -> memref<80x128xf32, #tpu.memory_space<vmem>>
    %dma_start3A_123 = arith.constant 0 : i32
    %dma_start3A_124 = tpu.memref_slice %arg7[%and3A_102, %dma_start3A_123] : memref<4x80xi32, #tpu.memory_space<vmem>> -> memref<1x80xi32, #tpu.memory_space<vmem>>
    %dma_start3A_125 = tpu.memref_squeeze %dma_start3A_124 : memref<1x80xi32, #tpu.memory_space<vmem>> -> memref<80xi32, #tpu.memory_space<vmem>>
    %dma_start3A_126 = arith.constant 0 : i32
    %dma_start3A_127 = arith.constant 0 : i32
    %dma_start3A_128 = tpu.memref_slice %arg2[%dma_start3A_126, %dma_start3A_127] : memref<10000x128xf32, #tpu.memory_space<hbm>> -> memref<10000x128xf32, #tpu.memory_space<hbm>>
    %dma_start3A_129 = tpu.memref_slice %arg13[%dma_start3A_118] : memref<3x!tpu.dma_semaphore, #tpu.memory_space<semaphore_mem>> -> memref<1x!tpu.dma_semaphore, #tpu.memory_space<semaphore_mem>>
    %dma_start3A_130 = tpu.memref_squeeze %dma_start3A_129 : memref<1x!tpu.dma_semaphore, #tpu.memory_space<semaphore_mem>> -> memref<!tpu.dma_semaphore, #tpu.memory_space<semaphore_mem>>
    tpu.enqueue_indirect_dma source(%dma_start3A_128 : memref<10000x128xf32, #tpu.memory_space<hbm>>) target(%dma_start3A_122 : memref<80x128xf32, #tpu.memory_space<vmem>>) offsets(%dma_start3A_125 : memref<80xi32, #tpu.memory_space<vmem>>) semaphore(%dma_start3A_130 : memref<!tpu.dma_semaphore, #tpu.memory_space<semaphore_mem>>)
    %and3A_131 = arith.constant 1 : i32
    %and3A_132 = arith.constant 3 : i32
    %and3A_133 = arith.andi %and3A_131, %and3A_132 : i32
    %dma_wait3A_134 = arith.constant 1 : i32
    %dma_wait3A_135 = arith.constant 0 : i32
    %dma_wait3A_136 = tpu.memref_slice %arg7[%and3A_133, %dma_wait3A_135] : memref<4x80xi32, #tpu.memory_space<vmem>> -> memref<1x80xi32, #tpu.memory_space<vmem>>
    %dma_wait3A_137 = tpu.memref_squeeze %dma_wait3A_136 : memref<1x80xi32, #tpu.memory_space<vmem>> -> memref<80xi32, #tpu.memory_space<vmem>>
    %dma_wait3A_138 = arith.constant 0 : i32
    %dma_wait3A_139 = tpu.memref_slice %arg3[%add3A, %dma_wait3A_134, %dma_wait3A_138] : memref<32x125x80xi32, #tpu.memory_space<hbm>> -> memref<1x1x80xi32, #tpu.memory_space<hbm>>
    %dma_wait3A_140 = tpu.memref_squeeze %dma_wait3A_139 : memref<1x1x80xi32, #tpu.memory_space<hbm>> -> memref<80xi32, #tpu.memory_space<hbm>>
    %dma_wait3A_141 = tpu.memref_slice %arg11[%and3A_133] : memref<4x!tpu.dma_semaphore, #tpu.memory_space<semaphore_mem>> -> memref<1x!tpu.dma_semaphore, #tpu.memory_space<semaphore_mem>>
    %dma_wait3A_142 = tpu.memref_squeeze %dma_wait3A_141 : memref<1x!tpu.dma_semaphore, #tpu.memory_space<semaphore_mem>> -> memref<!tpu.dma_semaphore, #tpu.memory_space<semaphore_mem>>
    %dma_wait3A_143 = arith.constant 0 : i32
    %dma_wait3A_144 = tpu.memref_slice %arg7[%and3A_133, %dma_wait3A_143] : memref<4x80xi32, #tpu.memory_space<vmem>> -> memref<1x80xi32, #tpu.memory_space<vmem>>
    %dma_wait3A_145 = tpu.memref_squeeze %dma_wait3A_144 : memref<1x80xi32, #tpu.memory_space<vmem>> -> memref<80xi32, #tpu.memory_space<vmem>>
    %dma_wait3A_146 = arith.constant 0 : i32
    %dma_wait3A_147 = tpu.memref_slice %arg3[%add3A, %dma_wait3A_134, %dma_wait3A_146] : memref<32x125x80xi32, #tpu.memory_space<hbm>> -> memref<1x1x80xi32, #tpu.memory_space<hbm>>
    %dma_wait3A_148 = tpu.memref_squeeze %dma_wait3A_147 : memref<1x1x80xi32, #tpu.memory_space<hbm>> -> memref<80xi32, #tpu.memory_space<hbm>>
    tpu.wait_dma2 semaphore(%dma_wait3A_142 : memref<!tpu.dma_semaphore, #tpu.memory_space<semaphore_mem>>) src(%dma_wait3A_148 : memref<80xi32, #tpu.memory_space<hbm>>) dst(%dma_wait3A_145 : memref<80xi32, #tpu.memory_space<vmem>>)
    %dma_start3A_149 = arith.constant 1 : i32
    %dma_start3A_150 = arith.constant 1 : i32
    %dma_start3A_151 = arith.constant 0 : i32
    %dma_start3A_152 = arith.constant 0 : i32
    %dma_start3A_153 = tpu.memref_slice %arg9[%dma_start3A_149, %dma_start3A_151, %dma_start3A_152] : memref<3x80x128xf32, #tpu.memory_space<vmem>> -> memref<1x80x128xf32, #tpu.memory_space<vmem>>
    %dma_start3A_154 = tpu.memref_squeeze %dma_start3A_153 : memref<1x80x128xf32, #tpu.memory_space<vmem>> -> memref<80x128xf32, #tpu.memory_space<vmem>>
    %dma_start3A_155 = arith.constant 0 : i32
    %dma_start3A_156 = tpu.memref_slice %arg7[%and3A_133, %dma_start3A_155] : memref<4x80xi32, #tpu.memory_space<vmem>> -> memref<1x80xi32, #tpu.memory_space<vmem>>
    %dma_start3A_157 = tpu.memref_squeeze %dma_start3A_156 : memref<1x80xi32, #tpu.memory_space<vmem>> -> memref<80xi32, #tpu.memory_space<vmem>>
    %dma_start3A_158 = arith.constant 0 : i32
    %dma_start3A_159 = arith.constant 0 : i32
    %dma_start3A_160 = tpu.memref_slice %arg2[%dma_start3A_158, %dma_start3A_159] : memref<10000x128xf32, #tpu.memory_space<hbm>> -> memref<10000x128xf32, #tpu.memory_space<hbm>>
    %dma_start3A_161 = tpu.memref_slice %arg13[%dma_start3A_150] : memref<3x!tpu.dma_semaphore, #tpu.memory_space<semaphore_mem>> -> memref<1x!tpu.dma_semaphore, #tpu.memory_space<semaphore_mem>>
    %dma_start3A_162 = tpu.memref_squeeze %dma_start3A_161 : memref<1x!tpu.dma_semaphore, #tpu.memory_space<semaphore_mem>> -> memref<!tpu.dma_semaphore, #tpu.memory_space<semaphore_mem>>
    tpu.enqueue_indirect_dma source(%dma_start3A_160 : memref<10000x128xf32, #tpu.memory_space<hbm>>) target(%dma_start3A_154 : memref<80x128xf32, #tpu.memory_space<vmem>>) offsets(%dma_start3A_157 : memref<80xi32, #tpu.memory_space<vmem>>) semaphore(%dma_start3A_162 : memref<!tpu.dma_semaphore, #tpu.memory_space<semaphore_mem>>)
    %barrier3A = arith.constant 0 : index
    tpu.barrier barrier_id(%barrier3A)
    %scan3A = arith.constant 0 : i32
    %scan3A_163 = arith.constant 125 : i32
    %scan3A_164 = arith.addi %scan3A, %scan3A_163 : i32
    %scan3A_165 = arith.constant 1 : i32
    scf.for %scan3A_187 = %scan3A to %scan3A_164 step %scan3A_165  : i32 {
      %mul3A_188 = arith.constant 1 : i32
      %mul3A_189 = arith.muli %scan3A_187, %mul3A_188 : i32
      %add3A_190 = arith.constant 0 : i32
      %add3A_191 = arith.addi %add3A_190, %mul3A_189 : i32
      %ge3A = arith.constant 1 : i32
      %ge3A_192 = arith.cmpi sge, %add3A_191, %ge3A : i32
      %convert_element_type3A = arith.extui %ge3A_192 : i1 to i32
      %cond3A = arith.constant 0 : i32
      %cond3A_193 = arith.cmpi ne, %convert_element_type3A, %cond3A : i32
      scf.if %cond3A_193 {
        %add3A_248 = arith.constant 2 : i32
        %add3A_249 = arith.addi %add3A_191, %add3A_248 : i32
        %rem3A_250 = arith.constant 3 : i32
        %rem3A_251 = arith.remsi %add3A_249, %rem3A_250 : i32
        %sub3A = arith.constant 1 : i32
        %sub3A_252 = arith.subi %add3A_191, %sub3A : i32
        %and3A_253 = arith.constant 3 : i32
        %and3A_254 = arith.andi %sub3A_252, %and3A_253 : i32
        %dma_wait3A_255 = arith.constant 0 : i32
        %dma_wait3A_256 = arith.constant 0 : i32
        %dma_wait3A_257 = tpu.memref_slice %arg9[%rem3A_251, %dma_wait3A_255, %dma_wait3A_256] : memref<3x80x128xf32, #tpu.memory_space<vmem>> -> memref<1x80x128xf32, #tpu.memory_space<vmem>>
        %dma_wait3A_258 = tpu.memref_squeeze %dma_wait3A_257 : memref<1x80x128xf32, #tpu.memory_space<vmem>> -> memref<80x128xf32, #tpu.memory_space<vmem>>
        %dma_wait3A_259 = arith.constant 0 : i32
        %dma_wait3A_260 = tpu.memref_slice %arg8[%and3A_254, %dma_wait3A_259] : memref<4x80xi32, #tpu.memory_space<vmem>> -> memref<1x80xi32, #tpu.memory_space<vmem>>
        %dma_wait3A_261 = tpu.memref_squeeze %dma_wait3A_260 : memref<1x80xi32, #tpu.memory_space<vmem>> -> memref<80xi32, #tpu.memory_space<vmem>>
        %dma_wait3A_262 = arith.constant 0 : i32
        %dma_wait3A_263 = arith.constant 0 : i32
        %dma_wait3A_264 = tpu.memref_slice %arg10[%dma_wait3A_262, %dma_wait3A_263] : memref<10240x128xf32, #tpu.memory_space<vmem_shared>> -> memref<10240x128xf32, #tpu.memory_space<vmem_shared>>
        %dma_wait3A_265 = tpu.memref_slice %arg14[%rem3A_251] : memref<3x!tpu.dma_semaphore, #tpu.memory_space<semaphore_mem>> -> memref<1x!tpu.dma_semaphore, #tpu.memory_space<semaphore_mem>>
        %dma_wait3A_266 = tpu.memref_squeeze %dma_wait3A_265 : memref<1x!tpu.dma_semaphore, #tpu.memory_space<semaphore_mem>> -> memref<!tpu.dma_semaphore, #tpu.memory_space<semaphore_mem>>
        tpu.wait_indirect_dma semaphore(%dma_wait3A_266 : memref<!tpu.dma_semaphore, #tpu.memory_space<semaphore_mem>>) src(%dma_wait3A_258 : memref<80x128xf32, #tpu.memory_space<vmem>>) dst(%dma_wait3A_264 : memref<10240x128xf32, #tpu.memory_space<vmem_shared>>)
      } else {
      }
      %add3A_194 = arith.constant 3 : i32
      %add3A_195 = arith.addi %add3A_191, %add3A_194 : i32
      %lt3A = arith.constant 125 : i32
      %lt3A_196 = arith.cmpi slt, %add3A_195, %lt3A : i32
      %convert_element_type3A_197 = arith.extui %lt3A_196 : i1 to i32
      %cond3A_198 = arith.constant 0 : i32
      %cond3A_199 = arith.cmpi ne, %convert_element_type3A_197, %cond3A_198 : i32
      scf.if %cond3A_199 {
        %add3A_248 = arith.constant 3 : i32
        %add3A_249 = arith.addi %add3A_191, %add3A_248 : i32
        %and3A_250 = arith.constant 3 : i32
        %and3A_251 = arith.andi %add3A_249, %and3A_250 : i32
        %dma_start3A_252 = arith.constant 0 : i32
        %dma_start3A_253 = tpu.memref_slice %arg7[%and3A_251, %dma_start3A_252] : memref<4x80xi32, #tpu.memory_space<vmem>> -> memref<1x80xi32, #tpu.memory_space<vmem>>
        %dma_start3A_254 = tpu.memref_squeeze %dma_start3A_253 : memref<1x80xi32, #tpu.memory_space<vmem>> -> memref<80xi32, #tpu.memory_space<vmem>>
        %dma_start3A_255 = arith.constant 0 : i32
        %dma_start3A_256 = tpu.memref_slice %arg3[%add3A, %add3A_249, %dma_start3A_255] : memref<32x125x80xi32, #tpu.memory_space<hbm>> -> memref<1x1x80xi32, #tpu.memory_space<hbm>>
        %dma_start3A_257 = tpu.memref_squeeze %dma_start3A_256 : memref<1x1x80xi32, #tpu.memory_space<hbm>> -> memref<80xi32, #tpu.memory_space<hbm>>
        %dma_start3A_258 = tpu.memref_slice %arg11[%and3A_251] : memref<4x!tpu.dma_semaphore, #tpu.memory_space<semaphore_mem>> -> memref<1x!tpu.dma_semaphore, #tpu.memory_space<semaphore_mem>>
        %dma_start3A_259 = tpu.memref_squeeze %dma_start3A_258 : memref<1x!tpu.dma_semaphore, #tpu.memory_space<semaphore_mem>> -> memref<!tpu.dma_semaphore, #tpu.memory_space<semaphore_mem>>
        %dma_start3A_260 = arith.constant 0 : i32
        %dma_start3A_261 = tpu.memref_slice %arg7[%and3A_251, %dma_start3A_260] : memref<4x80xi32, #tpu.memory_space<vmem>> -> memref<1x80xi32, #tpu.memory_space<vmem>>
        %dma_start3A_262 = tpu.memref_squeeze %dma_start3A_261 : memref<1x80xi32, #tpu.memory_space<vmem>> -> memref<80xi32, #tpu.memory_space<vmem>>
        %dma_start3A_263 = arith.constant 0 : i32
        %dma_start3A_264 = tpu.memref_slice %arg3[%add3A, %add3A_249, %dma_start3A_263] : memref<32x125x80xi32, #tpu.memory_space<hbm>> -> memref<1x1x80xi32, #tpu.memory_space<hbm>>
        %dma_start3A_265 = tpu.memref_squeeze %dma_start3A_264 : memref<1x1x80xi32, #tpu.memory_space<hbm>> -> memref<80xi32, #tpu.memory_space<hbm>>
        tpu.enqueue_dma source(%dma_start3A_265 : memref<80xi32, #tpu.memory_space<hbm>>) target(%dma_start3A_262 : memref<80xi32, #tpu.memory_space<vmem>>) target_semaphore(%dma_start3A_259 : memref<!tpu.dma_semaphore, #tpu.memory_space<semaphore_mem>>)
        %dma_start3A_266 = arith.constant 0 : i32
        %dma_start3A_267 = tpu.memref_slice %arg8[%and3A_251, %dma_start3A_266] : memref<4x80xi32, #tpu.memory_space<vmem>> -> memref<1x80xi32, #tpu.memory_space<vmem>>
        %dma_start3A_268 = tpu.memref_squeeze %dma_start3A_267 : memref<1x80xi32, #tpu.memory_space<vmem>> -> memref<80xi32, #tpu.memory_space<vmem>>
        %dma_start3A_269 = arith.constant 0 : i32
        %dma_start3A_270 = tpu.memref_slice %arg4[%add3A, %add3A_249, %dma_start3A_269] : memref<32x125x80xi32, #tpu.memory_space<hbm>> -> memref<1x1x80xi32, #tpu.memory_space<hbm>>
        %dma_start3A_271 = tpu.memref_squeeze %dma_start3A_270 : memref<1x1x80xi32, #tpu.memory_space<hbm>> -> memref<80xi32, #tpu.memory_space<hbm>>
        %dma_start3A_272 = tpu.memref_slice %arg12[%and3A_251] : memref<4x!tpu.dma_semaphore, #tpu.memory_space<semaphore_mem>> -> memref<1x!tpu.dma_semaphore, #tpu.memory_space<semaphore_mem>>
        %dma_start3A_273 = tpu.memref_squeeze %dma_start3A_272 : memref<1x!tpu.dma_semaphore, #tpu.memory_space<semaphore_mem>> -> memref<!tpu.dma_semaphore, #tpu.memory_space<semaphore_mem>>
        %dma_start3A_274 = arith.constant 0 : i32
        %dma_start3A_275 = tpu.memref_slice %arg8[%and3A_251, %dma_start3A_274] : memref<4x80xi32, #tpu.memory_space<vmem>> -> memref<1x80xi32, #tpu.memory_space<vmem>>
        %dma_start3A_276 = tpu.memref_squeeze %dma_start3A_275 : memref<1x80xi32, #tpu.memory_space<vmem>> -> memref<80xi32, #tpu.memory_space<vmem>>
        %dma_start3A_277 = arith.constant 0 : i32
        %dma_start3A_278 = tpu.memref_slice %arg4[%add3A, %add3A_249, %dma_start3A_277] : memref<32x125x80xi32, #tpu.memory_space<hbm>> -> memref<1x1x80xi32, #tpu.memory_space<hbm>>
        %dma_start3A_279 = tpu.memref_squeeze %dma_start3A_278 : memref<1x1x80xi32, #tpu.memory_space<hbm>> -> memref<80xi32, #tpu.memory_space<hbm>>
        tpu.enqueue_dma source(%dma_start3A_279 : memref<80xi32, #tpu.memory_space<hbm>>) target(%dma_start3A_276 : memref<80xi32, #tpu.memory_space<vmem>>) target_semaphore(%dma_start3A_273 : memref<!tpu.dma_semaphore, #tpu.memory_space<semaphore_mem>>)
      } else {
      }
      %add3A_200 = arith.constant 2 : i32
      %add3A_201 = arith.addi %add3A_191, %add3A_200 : i32
      %lt3A_202 = arith.constant 125 : i32
      %lt3A_203 = arith.cmpi slt, %add3A_201, %lt3A_202 : i32
      %convert_element_type3A_204 = arith.extui %lt3A_203 : i1 to i32
      %cond3A_205 = arith.constant 0 : i32
      %cond3A_206 = arith.cmpi ne, %convert_element_type3A_204, %cond3A_205 : i32
      scf.if %cond3A_206 {
        %add3A_248 = arith.constant 2 : i32
        %add3A_249 = arith.addi %add3A_191, %add3A_248 : i32
        %add3A_250 = arith.constant 2 : i32
        %add3A_251 = arith.addi %add3A_191, %add3A_250 : i32
        %rem3A_252 = arith.constant 3 : i32
        %rem3A_253 = arith.remsi %add3A_251, %rem3A_252 : i32
        %and3A_254 = arith.constant 3 : i32
        %and3A_255 = arith.andi %add3A_249, %and3A_254 : i32
        %dma_wait3A_256 = arith.constant 0 : i32
        %dma_wait3A_257 = tpu.memref_slice %arg7[%and3A_255, %dma_wait3A_256] : memref<4x80xi32, #tpu.memory_space<vmem>> -> memref<1x80xi32, #tpu.memory_space<vmem>>
        %dma_wait3A_258 = tpu.memref_squeeze %dma_wait3A_257 : memref<1x80xi32, #tpu.memory_space<vmem>> -> memref<80xi32, #tpu.memory_space<vmem>>
        %dma_wait3A_259 = arith.constant 0 : i32
        %dma_wait3A_260 = tpu.memref_slice %arg3[%add3A, %add3A_249, %dma_wait3A_259] : memref<32x125x80xi32, #tpu.memory_space<hbm>> -> memref<1x1x80xi32, #tpu.memory_space<hbm>>
        %dma_wait3A_261 = tpu.memref_squeeze %dma_wait3A_260 : memref<1x1x80xi32, #tpu.memory_space<hbm>> -> memref<80xi32, #tpu.memory_space<hbm>>
        %dma_wait3A_262 = tpu.memref_slice %arg11[%and3A_255] : memref<4x!tpu.dma_semaphore, #tpu.memory_space<semaphore_mem>> -> memref<1x!tpu.dma_semaphore, #tpu.memory_space<semaphore_mem>>
        %dma_wait3A_263 = tpu.memref_squeeze %dma_wait3A_262 : memref<1x!tpu.dma_semaphore, #tpu.memory_space<semaphore_mem>> -> memref<!tpu.dma_semaphore, #tpu.memory_space<semaphore_mem>>
        %dma_wait3A_264 = arith.constant 0 : i32
        %dma_wait3A_265 = tpu.memref_slice %arg7[%and3A_255, %dma_wait3A_264] : memref<4x80xi32, #tpu.memory_space<vmem>> -> memref<1x80xi32, #tpu.memory_space<vmem>>
        %dma_wait3A_266 = tpu.memref_squeeze %dma_wait3A_265 : memref<1x80xi32, #tpu.memory_space<vmem>> -> memref<80xi32, #tpu.memory_space<vmem>>
        %dma_wait3A_267 = arith.constant 0 : i32
        %dma_wait3A_268 = tpu.memref_slice %arg3[%add3A, %add3A_249, %dma_wait3A_267] : memref<32x125x80xi32, #tpu.memory_space<hbm>> -> memref<1x1x80xi32, #tpu.memory_space<hbm>>
        %dma_wait3A_269 = tpu.memref_squeeze %dma_wait3A_268 : memref<1x1x80xi32, #tpu.memory_space<hbm>> -> memref<80xi32, #tpu.memory_space<hbm>>
        tpu.wait_dma2 semaphore(%dma_wait3A_263 : memref<!tpu.dma_semaphore, #tpu.memory_space<semaphore_mem>>) src(%dma_wait3A_269 : memref<80xi32, #tpu.memory_space<hbm>>) dst(%dma_wait3A_266 : memref<80xi32, #tpu.memory_space<vmem>>)
        %dma_start3A_270 = arith.constant 0 : i32
        %dma_start3A_271 = arith.constant 0 : i32
        %dma_start3A_272 = tpu.memref_slice %arg9[%rem3A_253, %dma_start3A_270, %dma_start3A_271] : memref<3x80x128xf32, #tpu.memory_space<vmem>> -> memref<1x80x128xf32, #tpu.memory_space<vmem>>
        %dma_start3A_273 = tpu.memref_squeeze %dma_start3A_272 : memref<1x80x128xf32, #tpu.memory_space<vmem>> -> memref<80x128xf32, #tpu.memory_space<vmem>>
        %dma_start3A_274 = arith.constant 0 : i32
        %dma_start3A_275 = tpu.memref_slice %arg7[%and3A_255, %dma_start3A_274] : memref<4x80xi32, #tpu.memory_space<vmem>> -> memref<1x80xi32, #tpu.memory_space<vmem>>
        %dma_start3A_276 = tpu.memref_squeeze %dma_start3A_275 : memref<1x80xi32, #tpu.memory_space<vmem>> -> memref<80xi32, #tpu.memory_space<vmem>>
        %dma_start3A_277 = arith.constant 0 : i32
        %dma_start3A_278 = arith.constant 0 : i32
        %dma_start3A_279 = tpu.memref_slice %arg2[%dma_start3A_277, %dma_start3A_278] : memref<10000x128xf32, #tpu.memory_space<hbm>> -> memref<10000x128xf32, #tpu.memory_space<hbm>>
        %dma_start3A_280 = tpu.memref_slice %arg13[%rem3A_253] : memref<3x!tpu.dma_semaphore, #tpu.memory_space<semaphore_mem>> -> memref<1x!tpu.dma_semaphore, #tpu.memory_space<semaphore_mem>>
        %dma_start3A_281 = tpu.memref_squeeze %dma_start3A_280 : memref<1x!tpu.dma_semaphore, #tpu.memory_space<semaphore_mem>> -> memref<!tpu.dma_semaphore, #tpu.memory_space<semaphore_mem>>
        tpu.enqueue_indirect_dma source(%dma_start3A_279 : memref<10000x128xf32, #tpu.memory_space<hbm>>) target(%dma_start3A_273 : memref<80x128xf32, #tpu.memory_space<vmem>>) offsets(%dma_start3A_276 : memref<80xi32, #tpu.memory_space<vmem>>) semaphore(%dma_start3A_281 : memref<!tpu.dma_semaphore, #tpu.memory_space<semaphore_mem>>)
      } else {
      }
      %rem3A = arith.constant 3 : i32
      %rem3A_207 = arith.remsi %add3A_191, %rem3A : i32
      %and3A_208 = arith.constant 3 : i32
      %and3A_209 = arith.andi %add3A_191, %and3A_208 : i32
      %dma_wait3A_210 = arith.constant 0 : i32
      %dma_wait3A_211 = arith.constant 0 : i32
      %dma_wait3A_212 = tpu.memref_slice %arg9[%rem3A_207, %dma_wait3A_210, %dma_wait3A_211] : memref<3x80x128xf32, #tpu.memory_space<vmem>> -> memref<1x80x128xf32, #tpu.memory_space<vmem>>
      %dma_wait3A_213 = tpu.memref_squeeze %dma_wait3A_212 : memref<1x80x128xf32, #tpu.memory_space<vmem>> -> memref<80x128xf32, #tpu.memory_space<vmem>>
      %dma_wait3A_214 = arith.constant 0 : i32
      %dma_wait3A_215 = tpu.memref_slice %arg7[%and3A_209, %dma_wait3A_214] : memref<4x80xi32, #tpu.memory_space<vmem>> -> memref<1x80xi32, #tpu.memory_space<vmem>>
      %dma_wait3A_216 = tpu.memref_squeeze %dma_wait3A_215 : memref<1x80xi32, #tpu.memory_space<vmem>> -> memref<80xi32, #tpu.memory_space<vmem>>
      %dma_wait3A_217 = arith.constant 0 : i32
      %dma_wait3A_218 = arith.constant 0 : i32
      %dma_wait3A_219 = tpu.memref_slice %arg2[%dma_wait3A_217, %dma_wait3A_218] : memref<10000x128xf32, #tpu.memory_space<hbm>> -> memref<10000x128xf32, #tpu.memory_space<hbm>>
      %dma_wait3A_220 = tpu.memref_slice %arg13[%rem3A_207] : memref<3x!tpu.dma_semaphore, #tpu.memory_space<semaphore_mem>> -> memref<1x!tpu.dma_semaphore, #tpu.memory_space<semaphore_mem>>
      %dma_wait3A_221 = tpu.memref_squeeze %dma_wait3A_220 : memref<1x!tpu.dma_semaphore, #tpu.memory_space<semaphore_mem>> -> memref<!tpu.dma_semaphore, #tpu.memory_space<semaphore_mem>>
      tpu.wait_indirect_dma semaphore(%dma_wait3A_221 : memref<!tpu.dma_semaphore, #tpu.memory_space<semaphore_mem>>) src(%dma_wait3A_219 : memref<10000x128xf32, #tpu.memory_space<hbm>>) dst(%dma_wait3A_213 : memref<80x128xf32, #tpu.memory_space<vmem>>)
      %dma_wait3A_222 = arith.constant 0 : i32
      %dma_wait3A_223 = tpu.memref_slice %arg8[%and3A_209, %dma_wait3A_222] : memref<4x80xi32, #tpu.memory_space<vmem>> -> memref<1x80xi32, #tpu.memory_space<vmem>>
      %dma_wait3A_224 = tpu.memref_squeeze %dma_wait3A_223 : memref<1x80xi32, #tpu.memory_space<vmem>> -> memref<80xi32, #tpu.memory_space<vmem>>
      %dma_wait3A_225 = arith.constant 0 : i32
      %dma_wait3A_226 = tpu.memref_slice %arg4[%add3A, %add3A_191, %dma_wait3A_225] : memref<32x125x80xi32, #tpu.memory_space<hbm>> -> memref<1x1x80xi32, #tpu.memory_space<hbm>>
      %dma_wait3A_227 = tpu.memref_squeeze %dma_wait3A_226 : memref<1x1x80xi32, #tpu.memory_space<hbm>> -> memref<80xi32, #tpu.memory_space<hbm>>
      %dma_wait3A_228 = tpu.memref_slice %arg12[%and3A_209] : memref<4x!tpu.dma_semaphore, #tpu.memory_space<semaphore_mem>> -> memref<1x!tpu.dma_semaphore, #tpu.memory_space<semaphore_mem>>
      %dma_wait3A_229 = tpu.memref_squeeze %dma_wait3A_228 : memref<1x!tpu.dma_semaphore, #tpu.memory_space<semaphore_mem>> -> memref<!tpu.dma_semaphore, #tpu.memory_space<semaphore_mem>>
      %dma_wait3A_230 = arith.constant 0 : i32
      %dma_wait3A_231 = tpu.memref_slice %arg8[%and3A_209, %dma_wait3A_230] : memref<4x80xi32, #tpu.memory_space<vmem>> -> memref<1x80xi32, #tpu.memory_space<vmem>>
      %dma_wait3A_232 = tpu.memref_squeeze %dma_wait3A_231 : memref<1x80xi32, #tpu.memory_space<vmem>> -> memref<80xi32, #tpu.memory_space<vmem>>
      %dma_wait3A_233 = arith.constant 0 : i32
      %dma_wait3A_234 = tpu.memref_slice %arg4[%add3A, %add3A_191, %dma_wait3A_233] : memref<32x125x80xi32, #tpu.memory_space<hbm>> -> memref<1x1x80xi32, #tpu.memory_space<hbm>>
      %dma_wait3A_235 = tpu.memref_squeeze %dma_wait3A_234 : memref<1x1x80xi32, #tpu.memory_space<hbm>> -> memref<80xi32, #tpu.memory_space<hbm>>
      tpu.wait_dma2 semaphore(%dma_wait3A_229 : memref<!tpu.dma_semaphore, #tpu.memory_space<semaphore_mem>>) src(%dma_wait3A_235 : memref<80xi32, #tpu.memory_space<hbm>>) dst(%dma_wait3A_232 : memref<80xi32, #tpu.memory_space<vmem>>)
      %dma_start3A_236 = arith.constant 0 : i32
      %dma_start3A_237 = arith.constant 0 : i32
      %dma_start3A_238 = tpu.memref_slice %arg9[%rem3A_207, %dma_start3A_236, %dma_start3A_237] : memref<3x80x128xf32, #tpu.memory_space<vmem>> -> memref<1x80x128xf32, #tpu.memory_space<vmem>>
      %dma_start3A_239 = tpu.memref_squeeze %dma_start3A_238 : memref<1x80x128xf32, #tpu.memory_space<vmem>> -> memref<80x128xf32, #tpu.memory_space<vmem>>
      %dma_start3A_240 = arith.constant 0 : i32
      %dma_start3A_241 = tpu.memref_slice %arg8[%and3A_209, %dma_start3A_240] : memref<4x80xi32, #tpu.memory_space<vmem>> -> memref<1x80xi32, #tpu.memory_space<vmem>>
      %dma_start3A_242 = tpu.memref_squeeze %dma_start3A_241 : memref<1x80xi32, #tpu.memory_space<vmem>> -> memref<80xi32, #tpu.memory_space<vmem>>
      %dma_start3A_243 = arith.constant 0 : i32
      %dma_start3A_244 = arith.constant 0 : i32
      %dma_start3A_245 = tpu.memref_slice %arg10[%dma_start3A_243, %dma_start3A_244] : memref<10240x128xf32, #tpu.memory_space<vmem_shared>> -> memref<10240x128xf32, #tpu.memory_space<vmem_shared>>
      %dma_start3A_246 = tpu.memref_slice %arg14[%rem3A_207] : memref<3x!tpu.dma_semaphore, #tpu.memory_space<semaphore_mem>> -> memref<1x!tpu.dma_semaphore, #tpu.memory_space<semaphore_mem>>
      %dma_start3A_247 = tpu.memref_squeeze %dma_start3A_246 : memref<1x!tpu.dma_semaphore, #tpu.memory_space<semaphore_mem>> -> memref<!tpu.dma_semaphore, #tpu.memory_space<semaphore_mem>>
      tpu.enqueue_indirect_dma source(%dma_start3A_239 : memref<80x128xf32, #tpu.memory_space<vmem>>) target(%dma_start3A_245 : memref<10240x128xf32, #tpu.memory_space<vmem_shared>>) offsets(%dma_start3A_242 : memref<80xi32, #tpu.memory_space<vmem>>) semaphore(%dma_start3A_247 : memref<!tpu.dma_semaphore, #tpu.memory_space<semaphore_mem>>) {add = true}
    }
    %scan3A_166 = arith.constant 125 : i32
    %dma_wait3A_167 = arith.constant 1 : i32
    %dma_wait3A_168 = arith.constant 0 : i32
    %dma_wait3A_169 = arith.constant 1 : i32
    %dma_wait3A_170 = arith.constant 0 : i32
    %dma_wait3A_171 = arith.constant 0 : i32
    %dma_wait3A_172 = tpu.memref_slice %arg9[%dma_wait3A_167, %dma_wait3A_170, %dma_wait3A_171] : memref<3x80x128xf32, #tpu.memory_space<vmem>> -> memref<1x80x128xf32, #tpu.memory_space<vmem>>
    %dma_wait3A_173 = tpu.memref_squeeze %dma_wait3A_172 : memref<1x80x128xf32, #tpu.memory_space<vmem>> -> memref<80x128xf32, #tpu.memory_space<vmem>>
    %dma_wait3A_174 = arith.constant 0 : i32
    %dma_wait3A_175 = tpu.memref_slice %arg8[%dma_wait3A_168, %dma_wait3A_174] : memref<4x80xi32, #tpu.memory_space<vmem>> -> memref<1x80xi32, #tpu.memory_space<vmem>>
    %dma_wait3A_176 = tpu.memref_squeeze %dma_wait3A_175 : memref<1x80xi32, #tpu.memory_space<vmem>> -> memref<80xi32, #tpu.memory_space<vmem>>
    %dma_wait3A_177 = arith.constant 0 : i32
    %dma_wait3A_178 = arith.constant 0 : i32
    %dma_wait3A_179 = tpu.memref_slice %arg10[%dma_wait3A_177, %dma_wait3A_178] : memref<10240x128xf32, #tpu.memory_space<vmem_shared>> -> memref<10240x128xf32, #tpu.memory_space<vmem_shared>>
    %dma_wait3A_180 = tpu.memref_slice %arg14[%dma_wait3A_169] : memref<3x!tpu.dma_semaphore, #tpu.memory_space<semaphore_mem>> -> memref<1x!tpu.dma_semaphore, #tpu.memory_space<semaphore_mem>>
    %dma_wait3A_181 = tpu.memref_squeeze %dma_wait3A_180 : memref<1x!tpu.dma_semaphore, #tpu.memory_space<semaphore_mem>> -> memref<!tpu.dma_semaphore, #tpu.memory_space<semaphore_mem>>
    tpu.wait_indirect_dma semaphore(%dma_wait3A_181 : memref<!tpu.dma_semaphore, #tpu.memory_space<semaphore_mem>>) src(%dma_wait3A_173 : memref<80x128xf32, #tpu.memory_space<vmem>>) dst(%dma_wait3A_179 : memref<10240x128xf32, #tpu.memory_space<vmem_shared>>)
    %barrier3A_182 = arith.constant 0 : index
    tpu.barrier barrier_id(%barrier3A_182)
    %mul3A_183 = arith.constant 640 : i32
    %mul3A_184 = arith.muli %arg1, %mul3A_183 : i32
    %mul3A_185 = arith.constant 640 : i32
    %mul3A_186 = arith.muli %arg1, %mul3A_185 : i32
    "tpu.region"() ({
      %run_scoped3A = tpu.sem_alloc : memref<!tpu.dma_semaphore, #tpu.memory_space<semaphore_mem>>
      %dma_start3A_187 = arith.constant 0 : i32
      %dma_start3A_188 = tpu.memref_slice %arg6[%arg0, %mul3A_186, %dma_start3A_187] : memref<2x10240x128xf32, #tpu.memory_space<hbm>> -> memref<1x640x128xf32, #tpu.memory_space<hbm>>
      %dma_start3A_189 = tpu.memref_squeeze %dma_start3A_188 : memref<1x640x128xf32, #tpu.memory_space<hbm>> -> memref<640x128xf32, #tpu.memory_space<hbm>>
      %dma_start3A_190 = arith.constant 0 : i32
      %dma_start3A_191 = tpu.memref_slice %arg10[%mul3A_184, %dma_start3A_190] : memref<10240x128xf32, #tpu.memory_space<vmem_shared>> -> memref<640x128xf32, #tpu.memory_space<vmem_shared>>
      tpu.enqueue_dma source(%dma_start3A_191 : memref<640x128xf32, #tpu.memory_space<vmem_shared>>) target(%dma_start3A_189 : memref<640x128xf32, #tpu.memory_space<hbm>>) target_semaphore(%run_scoped3A : memref<!tpu.dma_semaphore, #tpu.memory_space<semaphore_mem>>)
      %dma_wait3A_192 = arith.constant 0 : i32
      %dma_wait3A_193 = tpu.memref_slice %arg6[%arg0, %mul3A_186, %dma_wait3A_192] : memref<2x10240x128xf32, #tpu.memory_space<hbm>> -> memref<1x640x128xf32, #tpu.memory_space<hbm>>
      %dma_wait3A_194 = tpu.memref_squeeze %dma_wait3A_193 : memref<1x640x128xf32, #tpu.memory_space<hbm>> -> memref<640x128xf32, #tpu.memory_space<hbm>>
      %dma_wait3A_195 = arith.constant 0 : i32
      %dma_wait3A_196 = tpu.memref_slice %arg10[%mul3A_184, %dma_wait3A_195] : memref<10240x128xf32, #tpu.memory_space<vmem_shared>> -> memref<640x128xf32, #tpu.memory_space<vmem_shared>>
      tpu.wait_dma2 semaphore(%run_scoped3A : memref<!tpu.dma_semaphore, #tpu.memory_space<semaphore_mem>>) src(%dma_wait3A_196 : memref<640x128xf32, #tpu.memory_space<vmem_shared>>) dst(%dma_wait3A_194 : memref<640x128xf32, #tpu.memory_space<hbm>>)
      tpu.yield
    }) : () -> ()
    return
  }
}

module attributes {stable_mosaic.version = 14 : i64} {
  func.func @_tc_first_body(%arg0: i32, %arg1: memref<1000x128xf32, #tpu.memory_space<vmem>>, %arg2: memref<128x128xf32, #tpu.memory_space<vmem>>, %arg3: memref<2x1000x1xf32, #tpu.memory_space<vmem>>, %arg4: memref<1000x128xf32, #tpu.memory_space<vmem>>) attributes {dimension_semantics = [#tpu.dimension_semantics<arbitrary>], iteration_bounds = array<i64: 10>, scalar_prefetch = 0 : i64, scratch_operands = 0 : i64, tpu.core_type = #tpu.core_type<tc>, window_params = [{transform_indices = @transform_0, window_bounds = array<i64: 1000, 128>}, {pipeline_mode = #tpu.pipeline_mode<synchronous>, transform_indices = @transform_1, window_bounds = array<i64: 128, 128>}, {transform_indices = @transform_2, window_bounds = array<i64: 2, 1000, 1>}, {transform_indices = @transform_3, window_bounds = array<i64: 1000, 128>}]} {
    %get3A = arith.constant 0 : index
    %get3A_0 = arith.constant 0 : index
    %get3A_1 = vector.load %arg1[%get3A, %get3A_0] : memref<1000x128xf32, #tpu.memory_space<vmem>>, vector<1000x128xf32>
    %get3A_2 = arith.constant 0 : index
    %get3A_3 = arith.constant 0 : index
    %get3A_4 = vector.load %arg2[%get3A_2, %get3A_3] : memref<128x128xf32, #tpu.memory_space<vmem>>, vector<128x128xf32>
    %dot_general3A = arith.constant dense<0.000000e+00> : vector<1000x128xf32>
    %dot_general3A_5 = tpu.matmul %get3A_1, %get3A_4, %dot_general3A {dimension_numbers = #tpu.dot_dimension_numbers<[1], [0], [0], [1], [0, 0, 1, 1], [], []>, transpose_lhs_hint = false} : vector<1000x128xf32>, vector<128x128xf32>, vector<1000x128xf32> -> vector<1000x128xf32>
    %get3A_6 = arith.constant 0 : index
    %get3A_7 = arith.constant 0 : index
    %get3A_8 = arith.constant 0 : index
    %get3A_9 = vector.load %arg3[%get3A_6, %get3A_7, %get3A_8] : memref<2x1000x1xf32, #tpu.memory_space<vmem>>, vector<1x1000x1xf32>
    %get3A_10 = vector.shape_cast %get3A_9 : vector<1x1000x1xf32> to vector<1000x1xf32>
    %get3A_11 = arith.constant 1 : index
    %get3A_12 = arith.constant 0 : index
    %get3A_13 = arith.constant 0 : index
    %get3A_14 = vector.load %arg3[%get3A_11, %get3A_12, %get3A_13] : memref<2x1000x1xf32, #tpu.memory_space<vmem>>, vector<1x1000x1xf32>
    %get3A_15 = vector.shape_cast %get3A_14 : vector<1x1000x1xf32> to vector<1000x1xf32>
    %add3A = arith.addf %get3A_10, %get3A_15 : vector<1000x1xf32>
    %add3A_16 = arith.constant 1.000000e+00 : f32
    %add3A_17 = vector.broadcast %add3A_16 : f32 to vector<1000x1xf32>
    %add3A_18 = arith.addf %add3A, %add3A_17 : vector<1000x1xf32>
    %rsqrt3A = math.rsqrt %add3A_18 : vector<1000x1xf32>
    %mul3A = vector.broadcast %rsqrt3A : vector<1000x1xf32> to vector<1000x128xf32>
    %mul3A_19 = arith.mulf %dot_general3A_5, %mul3A : vector<1000x128xf32>
    %swap3A = arith.constant 0 : index
    %swap3A_20 = arith.constant 0 : index
    %swap3A_21 = vector.load %arg4[%swap3A, %swap3A_20] : memref<1000x128xf32, #tpu.memory_space<vmem>>, vector<1000x128xf32>
    tpu.vector_store %arg4[%swap3A, %swap3A_20], %mul3A_19 {strides = array<i32>} : memref<1000x128xf32, #tpu.memory_space<vmem>>, vector<1000x128xf32>,
    return
  }
  func.func @transform_0(%arg0: i32) -> (i32, i32) {
    %c0_i32 = arith.constant 0 : i32
    %c0_i32_0 = arith.constant 0 : i32
    return %arg0, %c0_i32 : i32, i32
  }
  func.func @transform_1(%arg0: i32) -> (i32, i32) {
    %c0_i32 = arith.constant 0 : i32
    %c0_i32_0 = arith.constant 0 : i32
    %c0_i32_1 = arith.constant 0 : i32
    return %c0_i32, %c0_i32_0 : i32, i32
  }
  func.func @transform_2(%arg0: i32) -> (i32, i32, i32) {
    %c0_i32 = arith.constant 0 : i32
    %c0_i32_0 = arith.constant 0 : i32
    %c0_i32_1 = arith.constant 0 : i32
    return %c0_i32, %arg0, %c0_i32_0 : i32, i32, i32
  }
  func.func @transform_3(%arg0: i32) -> (i32, i32) {
    %c0_i32 = arith.constant 0 : i32
    %c0_i32_0 = arith.constant 0 : i32
    return %arg0, %c0_i32 : i32, i32
  }
}

module attributes {stable_mosaic.version = 14 : i64} {
  func.func @_tc_mid_body(%arg0: i32, %arg1: memref<2x1000x128xf32, #tpu.memory_space<vmem>>, %arg2: memref<1000x128xf32, #tpu.memory_space<vmem>>, %arg3: memref<2x1000x1xf32, #tpu.memory_space<vmem>>, %arg4: memref<1x128xf32, #tpu.memory_space<vmem>>, %arg5: memref<128x128xf32, #tpu.memory_space<vmem>>, %arg6: memref<1000x128xf32, #tpu.memory_space<vmem>>) attributes {dimension_semantics = [#tpu.dimension_semantics<arbitrary>], iteration_bounds = array<i64: 10>, scalar_prefetch = 0 : i64, scratch_operands = 0 : i64, tpu.core_type = #tpu.core_type<tc>, window_params = [{transform_indices = @transform_0, window_bounds = array<i64: 2, 1000, 128>}, {transform_indices = @transform_1, window_bounds = array<i64: 1000, 128>}, {transform_indices = @transform_2, window_bounds = array<i64: 2, 1000, 1>}, {pipeline_mode = #tpu.pipeline_mode<synchronous>, transform_indices = @transform_3, window_bounds = array<i64: 1, 128>}, {pipeline_mode = #tpu.pipeline_mode<synchronous>, transform_indices = @transform_4, window_bounds = array<i64: 128, 128>}, {transform_indices = @transform_5, window_bounds = array<i64: 1000, 128>}]} {
    %get3A = arith.constant 0 : index
    %get3A_0 = arith.constant 0 : index
    %get3A_1 = arith.constant 0 : index
    %get3A_2 = vector.load %arg3[%get3A, %get3A_0, %get3A_1] : memref<2x1000x1xf32, #tpu.memory_space<vmem>>, vector<1x1000x1xf32>
    %get3A_3 = vector.shape_cast %get3A_2 : vector<1x1000x1xf32> to vector<1000x1xf32>
    %get3A_4 = arith.constant 1 : index
    %get3A_5 = arith.constant 0 : index
    %get3A_6 = arith.constant 0 : index
    %get3A_7 = vector.load %arg3[%get3A_4, %get3A_5, %get3A_6] : memref<2x1000x1xf32, #tpu.memory_space<vmem>>, vector<1x1000x1xf32>
    %get3A_8 = vector.shape_cast %get3A_7 : vector<1x1000x1xf32> to vector<1000x1xf32>
    %add3A = arith.addf %get3A_3, %get3A_8 : vector<1000x1xf32>
    %add3A_9 = arith.constant 1.000000e+00 : f32
    %add3A_10 = vector.broadcast %add3A_9 : f32 to vector<1000x1xf32>
    %add3A_11 = arith.addf %add3A, %add3A_10 : vector<1000x1xf32>
    %rsqrt3A = math.rsqrt %add3A_11 : vector<1000x1xf32>
    %get3A_12 = arith.constant 0 : index
    %get3A_13 = arith.constant 0 : index
    %get3A_14 = arith.constant 0 : index
    %get3A_15 = vector.load %arg1[%get3A_12, %get3A_13, %get3A_14] : memref<2x1000x128xf32, #tpu.memory_space<vmem>>, vector<1x1000x128xf32>
    %get3A_16 = vector.shape_cast %get3A_15 : vector<1x1000x128xf32> to vector<1000x128xf32>
    %get3A_17 = arith.constant 1 : index
    %get3A_18 = arith.constant 0 : index
    %get3A_19 = arith.constant 0 : index
    %get3A_20 = vector.load %arg1[%get3A_17, %get3A_18, %get3A_19] : memref<2x1000x128xf32, #tpu.memory_space<vmem>>, vector<1x1000x128xf32>
    %get3A_21 = vector.shape_cast %get3A_20 : vector<1x1000x128xf32> to vector<1000x128xf32>
    %add3A_22 = arith.addf %get3A_16, %get3A_21 : vector<1000x128xf32>
    %get3A_23 = arith.constant 0 : index
    %get3A_24 = arith.constant 0 : index
    %get3A_25 = vector.load %arg2[%get3A_23, %get3A_24] : memref<1000x128xf32, #tpu.memory_space<vmem>>, vector<1000x128xf32>
    %add3A_26 = arith.addf %add3A_22, %get3A_25 : vector<1000x128xf32>
    %mul3A = vector.broadcast %rsqrt3A : vector<1000x1xf32> to vector<1000x128xf32>
    %mul3A_27 = arith.mulf %add3A_26, %mul3A : vector<1000x128xf32>
    %get3A_28 = arith.constant 0 : index
    %get3A_29 = arith.constant 0 : index
    %get3A_30 = vector.load %arg4[%get3A_28, %get3A_29] : memref<1x128xf32, #tpu.memory_space<vmem>>, vector<1x128xf32>
    %add3A_31 = vector.broadcast %get3A_30 : vector<1x128xf32> to vector<1000x128xf32>
    %add3A_32 = arith.addf %mul3A_27, %add3A_31 : vector<1000x128xf32>
    %max3A = arith.constant 0.000000e+00 : f32
    %max3A_33 = vector.broadcast %max3A : f32 to vector<1000x128xf32>
    %max3A_34 = arith.maximumf %add3A_32, %max3A_33 : vector<1000x128xf32>
    %get3A_35 = arith.constant 0 : index
    %get3A_36 = arith.constant 0 : index
    %get3A_37 = vector.load %arg5[%get3A_35, %get3A_36] : memref<128x128xf32, #tpu.memory_space<vmem>>, vector<128x128xf32>
    %dot_general3A = arith.constant dense<0.000000e+00> : vector<1000x128xf32>
    %dot_general3A_38 = tpu.matmul %max3A_34, %get3A_37, %dot_general3A {dimension_numbers = #tpu.dot_dimension_numbers<[1], [0], [0], [1], [0, 0, 1, 1], [], []>, transpose_lhs_hint = false} : vector<1000x128xf32>, vector<128x128xf32>, vector<1000x128xf32> -> vector<1000x128xf32>
    %mul3A_39 = vector.broadcast %rsqrt3A : vector<1000x1xf32> to vector<1000x128xf32>
    %mul3A_40 = arith.mulf %dot_general3A_38, %mul3A_39 : vector<1000x128xf32>
    %swap3A = arith.constant 0 : index
    %swap3A_41 = arith.constant 0 : index
    %swap3A_42 = vector.load %arg6[%swap3A, %swap3A_41] : memref<1000x128xf32, #tpu.memory_space<vmem>>, vector<1000x128xf32>
    tpu.vector_store %arg6[%swap3A, %swap3A_41], %mul3A_40 {strides = array<i32>} : memref<1000x128xf32, #tpu.memory_space<vmem>>, vector<1000x128xf32>,
    return
  }
  func.func @transform_0(%arg0: i32) -> (i32, i32, i32) {
    %c0_i32 = arith.constant 0 : i32
    %c0_i32_0 = arith.constant 0 : i32
    %c0_i32_1 = arith.constant 0 : i32
    return %c0_i32, %arg0, %c0_i32_0 : i32, i32, i32
  }
  func.func @transform_1(%arg0: i32) -> (i32, i32) {
    %c0_i32 = arith.constant 0 : i32
    %c0_i32_0 = arith.constant 0 : i32
    return %arg0, %c0_i32 : i32, i32
  }
  func.func @transform_2(%arg0: i32) -> (i32, i32, i32) {
    %c0_i32 = arith.constant 0 : i32
    %c0_i32_0 = arith.constant 0 : i32
    %c0_i32_1 = arith.constant 0 : i32
    return %c0_i32, %arg0, %c0_i32_0 : i32, i32, i32
  }
  func.func @transform_3(%arg0: i32) -> (i32, i32) {
    %c0_i32 = arith.constant 0 : i32
    %c0_i32_0 = arith.constant 0 : i32
    %c0_i32_1 = arith.constant 0 : i32
    return %c0_i32, %c0_i32_0 : i32, i32
  }
  func.func @transform_4(%arg0: i32) -> (i32, i32) {
    %c0_i32 = arith.constant 0 : i32
    %c0_i32_0 = arith.constant 0 : i32
    %c0_i32_1 = arith.constant 0 : i32
    return %c0_i32, %c0_i32_0 : i32, i32
  }
  func.func @transform_5(%arg0: i32) -> (i32, i32) {
    %c0_i32 = arith.constant 0 : i32
    %c0_i32_0 = arith.constant 0 : i32
    return %arg0, %c0_i32 : i32, i32
  }
}

module attributes {stable_mosaic.version = 14 : i64} {
  func.func @_tc_last_body(%arg0: i32, %arg1: memref<2x1000x128xf32, #tpu.memory_space<vmem>>, %arg2: memref<1000x128xf32, #tpu.memory_space<vmem>>, %arg3: memref<2x1000x1xf32, #tpu.memory_space<vmem>>, %arg4: memref<1x128xf32, #tpu.memory_space<vmem>>, %arg5: memref<1000x128xf32, #tpu.memory_space<vmem>>) attributes {dimension_semantics = [#tpu.dimension_semantics<arbitrary>], iteration_bounds = array<i64: 10>, scalar_prefetch = 0 : i64, scratch_operands = 0 : i64, tpu.core_type = #tpu.core_type<tc>, window_params = [{transform_indices = @transform_0, window_bounds = array<i64: 2, 1000, 128>}, {transform_indices = @transform_1, window_bounds = array<i64: 1000, 128>}, {transform_indices = @transform_2, window_bounds = array<i64: 2, 1000, 1>}, {pipeline_mode = #tpu.pipeline_mode<synchronous>, transform_indices = @transform_3, window_bounds = array<i64: 1, 128>}, {transform_indices = @transform_4, window_bounds = array<i64: 1000, 128>}]} {
    %get3A = arith.constant 0 : index
    %get3A_0 = arith.constant 0 : index
    %get3A_1 = arith.constant 0 : index
    %get3A_2 = vector.load %arg1[%get3A, %get3A_0, %get3A_1] : memref<2x1000x128xf32, #tpu.memory_space<vmem>>, vector<1x1000x128xf32>
    %get3A_3 = vector.shape_cast %get3A_2 : vector<1x1000x128xf32> to vector<1000x128xf32>
    %get3A_4 = arith.constant 1 : index
    %get3A_5 = arith.constant 0 : index
    %get3A_6 = arith.constant 0 : index
    %get3A_7 = vector.load %arg1[%get3A_4, %get3A_5, %get3A_6] : memref<2x1000x128xf32, #tpu.memory_space<vmem>>, vector<1x1000x128xf32>
    %get3A_8 = vector.shape_cast %get3A_7 : vector<1x1000x128xf32> to vector<1000x128xf32>
    %add3A = arith.addf %get3A_3, %get3A_8 : vector<1000x128xf32>
    %get3A_9 = arith.constant 0 : index
    %get3A_10 = arith.constant 0 : index
    %get3A_11 = vector.load %arg2[%get3A_9, %get3A_10] : memref<1000x128xf32, #tpu.memory_space<vmem>>, vector<1000x128xf32>
    %add3A_12 = arith.addf %add3A, %get3A_11 : vector<1000x128xf32>
    %get3A_13 = arith.constant 0 : index
    %get3A_14 = arith.constant 0 : index
    %get3A_15 = arith.constant 0 : index
    %get3A_16 = vector.load %arg3[%get3A_13, %get3A_14, %get3A_15] : memref<2x1000x1xf32, #tpu.memory_space<vmem>>, vector<1x1000x1xf32>
    %get3A_17 = vector.shape_cast %get3A_16 : vector<1x1000x1xf32> to vector<1000x1xf32>
    %get3A_18 = arith.constant 1 : index
    %get3A_19 = arith.constant 0 : index
    %get3A_20 = arith.constant 0 : index
    %get3A_21 = vector.load %arg3[%get3A_18, %get3A_19, %get3A_20] : memref<2x1000x1xf32, #tpu.memory_space<vmem>>, vector<1x1000x1xf32>
    %get3A_22 = vector.shape_cast %get3A_21 : vector<1x1000x1xf32> to vector<1000x1xf32>
    %add3A_23 = arith.addf %get3A_17, %get3A_22 : vector<1000x1xf32>
    %add3A_24 = arith.constant 1.000000e+00 : f32
    %add3A_25 = vector.broadcast %add3A_24 : f32 to vector<1000x1xf32>
    %add3A_26 = arith.addf %add3A_23, %add3A_25 : vector<1000x1xf32>
    %rsqrt3A = math.rsqrt %add3A_26 : vector<1000x1xf32>
    %mul3A = vector.broadcast %rsqrt3A : vector<1000x1xf32> to vector<1000x128xf32>
    %mul3A_27 = arith.mulf %add3A_12, %mul3A : vector<1000x128xf32>
    %get3A_28 = arith.constant 0 : index
    %get3A_29 = arith.constant 0 : index
    %get3A_30 = vector.load %arg4[%get3A_28, %get3A_29] : memref<1x128xf32, #tpu.memory_space<vmem>>, vector<1x128xf32>
    %add3A_31 = vector.broadcast %get3A_30 : vector<1x128xf32> to vector<1000x128xf32>
    %add3A_32 = arith.addf %mul3A_27, %add3A_31 : vector<1000x128xf32>
    %swap3A = arith.constant 0 : index
    %swap3A_33 = arith.constant 0 : index
    %swap3A_34 = vector.load %arg5[%swap3A, %swap3A_33] : memref<1000x128xf32, #tpu.memory_space<vmem>>, vector<1000x128xf32>
    tpu.vector_store %arg5[%swap3A, %swap3A_33], %add3A_32 {strides = array<i32>} : memref<1000x128xf32, #tpu.memory_space<vmem>>, vector<1000x128xf32>,
    return
  }
  func.func @transform_0(%arg0: i32) -> (i32, i32, i32) {
    %c0_i32 = arith.constant 0 : i32
    %c0_i32_0 = arith.constant 0 : i32
    %c0_i32_1 = arith.constant 0 : i32
    return %c0_i32, %arg0, %c0_i32_0 : i32, i32, i32
  }
  func.func @transform_1(%arg0: i32) -> (i32, i32) {
    %c0_i32 = arith.constant 0 : i32
    %c0_i32_0 = arith.constant 0 : i32
    return %arg0, %c0_i32 : i32, i32
  }
  func.func @transform_2(%arg0: i32) -> (i32, i32, i32) {
    %c0_i32 = arith.constant 0 : i32
    %c0_i32_0 = arith.constant 0 : i32
    %c0_i32_1 = arith.constant 0 : i32
    return %c0_i32, %arg0, %c0_i32_0 : i32, i32, i32
  }
  func.func @transform_3(%arg0: i32) -> (i32, i32) {
    %c0_i32 = arith.constant 0 : i32
    %c0_i32_0 = arith.constant 0 : i32
    %c0_i32_1 = arith.constant 0 : i32
    return %c0_i32, %c0_i32_0 : i32, i32
  }
  func.func @transform_4(%arg0: i32) -> (i32, i32) {
    %c0_i32 = arith.constant 0 : i32
    %c0_i32_0 = arith.constant 0 : i32
    return %arg0, %c0_i32 : i32, i32
  }
}

</mosaic_0001>

<sc_bundles>
// kernel: kernel.11.cloned.1.call-start
scs
__scs_entry_jumppad:
0x0: {  	(pc) =	sbr.rel $0x88, $3  }
0x1: {  	(tag) =	ssettag $0x0;
	lr =	simm.s32 $0x1  }
0x2: {  	[smem:$0x3F9B] =	sst lr;
	_ =	strace $0xD0000000  }
0x3: {  	_ = 	snop  }
0x4: {  	_ = 	snop  }
0x5: {  	_ = 	snop  }
0x6: {  	_ = 	snop  }
0x7: {  	_ = 	snop  }
__scs_overlays_trampoline_lowered:
0x8: {  	[smem:$0x3FAA] =	sst s0  }
0x9: {  	[smem:$0x3FAB] =	sst s1  }
0xa: {  	[smem:$0x3FAC] =	sst s2  }
0xb: {  	[smem:$0x3FAD] =	sst s3  }
0xc: {  	[smem:$0x3FAE] =	sst s4  }
0xd: {  	[smem:$0x3FAF] =	sst s5  }
0xe: {  	[smem:$0x3FB0] =	sst s6  }
0xf: {  	[smem:$0x3FB1] =	sst s7  }
0x10: {  	[smem:$0x3FB2] =	sst s8  }
0x11: {  	[smem:$0x3FB3] =	sst s9;
	s0 =	simm.s32 @!p0 $0x0  }
0x12: {  	s1 =	sld [smem:$0x3F99];
	s0 =	simm.s32 @p0 $0x1  }
0x13: {  	[smem:$0x3FB4] =	sst s0;
	s0 =	simm.s32 @!p1 $0x0  }
0x14: {  	s2 =	sld [smem:$0x3F98];
	s0 =	simm.s32 @p1 $0x1  }
0x15: {  	[smem:$0x3FB5] =	sst s0;
	s0 =	simm.s32 @!p2 $0x0  }
0x16: {  	s3 =	sld [smem:$0x3FDB];
	s0 =	simm.s32 @p2 $0x1  }
0x17: {  	s4 =	simm.s32 $0x1BF5;
	[smem:$0x3FB7] =	sst s0  }
0x18: {  	s0 =	sld [smem:$0x3F9A];
	_ =	swait.ge [sflag:s4], $0x0  }
0x19: {  	s7 =	sld [smem:$0x3F9B]  }
0x1a: {  	s8 =	sadd.s32 $0xFFFFE003, lr  }
0x1b: {  	s9 =	sadd.s32 $0xFFFFFEF7, lr;
	s5 =	simm.s32 $0xFFFFFFFF;
	p2 =	slt.u32 s8, $0xFFFFF086  }
0x1c: {  	p1 =	slt.u32 s9, $0xF7A;
	s5 =	simm.s32 @!p2 $0x0  }
0x1d: {  	s5 =	simm.s32 @p1 $0x1;
	p0 =	seq.s32 s7, s2  }
0x1e: {  	s7 =	smul.u32 @!p0 $0xF7A, s2;
	p2 =	seq.s32 @!p0 s5, $0x0  }
0x1f: {  	s9 =	smul.u32 $0xF7A, s1;
	s8 =	simm.s32 @!p0 $0x1BF5;
	p2 =	por !p2, p0  }
0x20: {  	[sflag:s8] =	ssyncset.s32 @!p0 $0xFFFFF086;
	s6 =	sadd.s32 @!p0 s3, s7;
	s7 =	simm.s32 @!p0 $0x108  }
0x21: {  	s3 =	sadd.s32 s3, s9;
	s6 =	sadd.s32 @!p0 $0x88, s6;
	s7 =	simm.s32 @p2 $0x1082  }
0x22: {  	[simem:s7], [sflag:s8] =	dma.local @!p0 [hbm:s6], $0xF7A  }
0x23: {  	s9 =	sor.u32 $0xD0000000, s2;
	s6 =	simm.s32 $0x108;
	_ =	swait.ge @!p0 [sflag:s8], $0x0  }
0x24: {  	s3 =	sadd.s32 $0x88, s3;
	s6 =	simm.s32 @!p1 $0x1082;
	[sflag:s4] =	ssyncset.s32 $0xFFFFF086  }
0x25: {  	[simem:s6], [sflag:s4] =	dma.local [hbm:s3], $0xF7A  }
0x26: {  	[smem:$0x3F9B] =	sst s1;
	(tag) =	ssettag s2;
	_ =	strace s9  }
0x27: {  	s1 =	sld [smem:$0x3FAB]  }
0x28: {  	s2 =	sld [smem:$0x3FAC]  }
0x29: {  	s4 =	sld [smem:$0x3FAE]  }
0x2a: {  	p0 =	seq.s32 s5, $0x0;
	s5 =	sld [smem:$0x3FAF]  }
0x2b: {  	s6 =	sld [smem:$0x3FB0]  }
0x2c: {  	s7 =	sld [smem:$0x3FB1]  }
0x2d: {  	s3 =	simm.s32 $0x108;
	s8 =	sld [smem:$0x3FB2]  }
0x2e: {  	s3 =	simm.s32 @!p0 $0x1082;
	s9 =	sld [smem:$0x3FB3]  }
0x2f: {  	lr =	sadd.s32 s0, s3;
	s0 =	sld [smem:$0x3FAA]  }
0x30: {  	s3 =	sld [smem:$0x3FAD]  }
0x31: {  	[smem:$0x3FB6] =	sst s10  }
0x32: {  	s10 =	sld [smem:$0x3FB4];
	_ =	sdelay $0x3  }
0x33: {  	p0 =	seq.s32 s10, $0x1;
	s10 =	sld [smem:$0x3FB6];
	_ =	sdelay $0x3  }
0x34: {  	[smem:$0x3FB6] =	sst s10  }
0x35: {  	s10 =	sld [smem:$0x3FB5];
	_ =	sdelay $0x3  }
0x36: {  	p1 =	seq.s32 s10, $0x1;
	s10 =	sld [smem:$0x3FB6];
	_ =	sdelay $0x3  }
0x37: {  	[smem:$0x3FB6] =	sst s10  }
0x38: {  	s10 =	sld [smem:$0x3FB7]  }
0x39: {  	_ = 	snop;
	(pc) =	sbr.ind lr, $3  }
0x3a: {  	_ = 	snop  }
0x3b: {  	_ = 	snop  }
0x3c: {  	p2 =	seq.s32 s10, $0x1;
	s10 =	sld [smem:$0x3FB6]  }
0x3d: {  	_ =	shalt  }
0x3e: {  	_ =	shalt  }
0x3f: {  	_ =	shalt  }
0x40: {  	_ =	shalt  }
0x41: {  	_ =	shalt  }
0x42: {  	_ =	shalt  }
0x43: {  	_ =	shalt  }
0x44: {  	_ =	shalt  }
0x45: {  	_ =	shalt  }
0x46: {  	_ =	shalt  }
0x47: {  	_ =	shalt  }
0x48: {  	_ =	shalt  }
0x49: {  	_ =	shalt  }
0x4a: {  	_ =	shalt  }
0x4b: {  	_ =	shalt  }
0x4c: {  	_ =	shalt  }
0x4d: {  	_ =	shalt  }
0x4e: {  	_ =	shalt  }
0x4f: {  	_ =	shalt  }
0x50: {  	_ =	shalt  }
0x51: {  	_ =	shalt  }
0x52: {  	_ =	shalt  }
0x53: {  	_ =	shalt  }
0x54: {  	_ =	shalt  }
0x55: {  	_ =	shalt  }
0x56: {  	_ =	shalt  }
0x57: {  	_ =	shalt  }
0x58: {  	_ =	shalt  }
0x59: {  	_ =	shalt  }
0x5a: {  	_ =	shalt  }
0x5b: {  	_ =	shalt  }
0x5c: {  	_ =	shalt  }
0x5d: {  	_ =	shalt  }
0x5e: {  	_ =	shalt  }
0x5f: {  	_ =	shalt  }
0x60: {  	_ =	shalt  }
0x61: {  	_ =	shalt  }
0x62: {  	_ =	shalt  }
0x63: {  	_ =	shalt  }
0x64: {  	_ =	shalt  }
0x65: {  	_ =	shalt  }
0x66: {  	_ =	shalt  }
0x67: {  	_ =	shalt  }
0x68: {  	_ =	shalt  }
0x69: {  	_ =	shalt  }
0x6a: {  	_ =	shalt  }
0x6b: {  	_ =	shalt  }
0x6c: {  	_ =	shalt  }
0x6d: {  	_ =	shalt  }
0x6e: {  	_ =	shalt  }
0x6f: {  	_ =	shalt  }
0x70: {  	_ =	shalt  }
0x71: {  	_ =	shalt  }
0x72: {  	_ =	shalt  }
0x73: {  	_ =	shalt  }
0x74: {  	_ =	shalt  }
0x75: {  	_ =	shalt  }
0x76: {  	_ =	shalt  }
0x77: {  	_ =	shalt  }
0x78: {  	_ =	shalt  }
0x79: {  	_ =	shalt  }
0x7a: {  	_ =	shalt  }
0x7b: {  	_ =	shalt  }
0x7c: {  	_ =	shalt  }
0x7d: {  	_ =	shalt  }
0x7e: {  	_ =	shalt  }
0x7f: {  	_ =	shalt  }
0x80: {  	_ =	shalt  }
0x81: {  	_ =	shalt  }
0x82: {  	_ =	shalt  }
0x83: {  	_ =	shalt  }
0x84: {  	_ =	shalt  }
0x85: {  	_ =	shalt  }
0x86: {  	_ =	shalt  }
0x87: {  	_ =	shalt  }
.Lfunc_end0:
.L_simem_size_0:
called_computation.1_lowered:
.L_overlay_start_0:
0x88: {  	s2 =	sld [smem:$0x3FD9]  }
0x89: {  	s3 =	sld [smem:$0x3FFE];
	_ =	sdelay $0x1  }
0x8a: {  	s1 =	srdreg.scid  }
0x8b: {  	s0 =	sand.u32 $0x1, s1  }
0x8c: {  	s17 =	sshll.u32 s0, $0xA;
	s2 =	sadd.s32 s3, s2  }
0x8d: {  	s2 =	sadd.s32 s2, s17  }
0x8e: {  	[smem:$0x3FC2] =	sst s2  }
0x8f: {  	_ = 	snop  }
0x90: {  	s2 =	sld [smem:$0x3FD0];
	(tm) =	ssettm $0x1  }
0x91: {  	s18 =	sld [smem:$0x3FFB];
	_ =	sdelay $0x3  }
0x92: {  	_ =	strace s18  }
0x93: {  	s3 =	sld [smem:$0x3FFC];
	_ =	sdelay $0x3  }
0x94: {  	_ =	strace s3  }
0x95: {  	s3 =	sld [smem:$0x3FFD];
	_ =	sdelay $0x3  }
0x96: {  	_ =	strace s3  }
0x97: {  	_ =	strace $0x8FFFFFFF  }
0x98: {  	s19 =	sld [smem:$0x3FDB];
	_ =	sdelay $0x1  }
0x99: {  	s4 =	simm.s32 $_scs_section_size  }
0x9a: {  	s5 =	simm.s32 $_size__tile_overlayer_lowered;
	s6 =	simm.s32 $_tile_overlayer_lowered  }
0x9b: {  	s22 =	simm.s32 $0x1BFF;
	s21 =	sshll.u32 s6, $0x1;
	s3 =	sadd.s32 s4, s19  }
0x9c: {  	s7 =	simm.s32 $0x0;
	s20 =	sshll.u32 s5, $0x1;
	s5 =	sadd.s32 s21, s3  }
0x9d: {  	[timem:s7], [sflag:s22] =	dma.local [hbm:s5], s20  }
0x9e: {  	_ =	swait.ge [sflag:s22], s20  }
0x9f: {  	s4 =	ssub.s32 $0x0, s20;
	[sflag:s22] =	ssyncset.done $0x0  }
0xa0: {  	[sflag:s22] =	ssyncadd.s32 s4;
	_ =	sdelay $0x1  }
0xa1: {  	s23 =	simm.s32 $0x1B8B  }
0xa2: {  	_ =	swait.ge [sflag:s23], $0x1  }
0xa3: {  	[sflag:s23] =	ssyncset.done $0x0  }
0xa4: {  	s25 =	simm.s32 $0x1B8E;
	s24 =	sld [smem:$0x3FFE];
	[sflag:s23] =	ssyncadd.s32 $0xFFFFFFFF  }
0xa5: {  	s26 =	simm.s32 $execute0_lowered;
	[smem:$0x3FD2] =	sst s25  }
0xa6: {  	s5 =	sshll.u32 s26, $0x1;
	_ =	strace $0x80000049;
	[dreg:$0x1] =	wrdreg $0xFFFFFFFF  }
0xa7: {  	s28 =	simm.s32 $_size_execute0_lowered;
	s3 =	sadd.s32 s3, s5;
	[dreg:$0x0] =	wrdreg $0x0  }
0xa8: {  	s5 =	sshll.u32 s28, $0x1;
	[dreg:$0x2] =	wrdreg s3  }
0xa9: {  	[dreg:$0x3] =	wrdreg s5  }
0xaa: {  	[dreg:$0x4] =	wrdreg $0xC0  }
0xab: {  	_ =	task [dreg:s7], $0x5FFFF  }
0xac: {  	[dreg:$0x1] =	wrdreg $0xFFFFFFFF  }
0xad: {  	[dreg:$0x0] =	wrdreg $0x60  }
0xae: {  	[dreg:$0x2] =	wrdreg s2  }
0xaf: {  	[dreg:$0x3] =	wrdreg s24  }
0xb0: {  	[dreg:$0x4] =	wrdreg $0x7C000  }
0xb1: {  	[dreg:$0x5] =	wrdreg $0x9  }
0xb2: {  	_ =	task.clear_ibuf [dreg:s7], $0x6FFFF;
	_ =	strace $0x90000049  }
0xb3: {  	s29 =	simm.s32 $0x9;
	_ =	strace $0x8000004B  }
0xb4: {  	_ =	swait.ge [sflag:s29], $0x1  }
0xb5: {  	[sflag:s29] =	ssyncadd.s32 $0xFFFFFFFF  }
0xb6: {  	_ =	strace $0x9000004B  }
0xb7: {  	_ =	sfence  }
0xb8: {  	s30 =	sld [smem:$0x0];
	_ =	sdelay $0x2  }
0xb9: {  	s31 =	sshll.u32 s1, $0xD;
	s1 =	sshrl.u32 s1, $0x2  }
0xba: {  	s3 =	sand.u32 $0x4000, s31;
	s1 =	sadd.s32 s1, s30  }
0xbb: {  	s0 =	sor.u32 s3, s0;
	s1 =	sshll.u32 s1, $0x11  }
0xbc: {  	s0 =	sor.u32 s1, s0  }
0xbd: {  	s0 =	sadd.s32 $0x8F2B, s0  }
0xbe: {  	[sflag:s0] =	ssyncadd.remote.s32 $0x1  }
0xbf: {  	_ =	sfence.sel $0xFFFF  }
0xc0: {  	[dreg:$0x0] =	wrdreg $0xFFFFFFFF;
	(pc) =	sbr.abs _section_cstart, $3  }
0xc1: {  	[dreg:$0x1] =	wrdreg $0xFFFFFFFF  }
0xc2: {  	_ =	task.clear_ibuf [dreg:s7], $0x2FFFF;
	_ =	strace $0x9FFFFFFF  }
0xc3: {  	(tm) =	ssettm $0x7FFFFFFF  }
tec
execute0_lowered:
.L_overlay_start_1:
0x0: {  	(tag) =	ssettag $0x1  }
0x1: {  	s1 =	rddreg [dreg:$0x0]  }
0x2: {  	s0 =	rddreg [dreg:$0x1]  }
0x3: {  	s2 =	rddreg [dreg:$0x2]  }
0x4: {  	s3 =	srdreg.scid;
	s4 =	simm.s32 $0x0;
	s11 =	stileid.u32  }
0x5: {  	s19 =	simm.s32 $0xF;
	s21 =	simm.s32 $0x80;
	s29 =	simm.s32 $0x2  }
0x6: {  	s31 =	simm.s32 $0xD;
	s3 =	sand.u32 $0x1, s3;
	[smem:$0x7FF] =	sst s4  }
0x7: {  	s8 =	smul.u32 $0x14000, s11;
	s5 =	sadd.s32 $0x12C00, s0;
	s6 =	sadd.s32 $0x2800, s0  }
0x8: {  	s10 =	smul.u32 $0x50000, s11;
	s25 =	sshll.u32 s11, $0xE;
	s28 =	sshll.u32 s11, $0x6  }
0x9: {  	s7 =	smul.u32 $0x140000, s3;
	_ =	strace $0x8000004A;
	s9 =	ssub.s32 $0x2, s3  }
0xa: {  	s3 =	sshll.u32 s3, $0x12;
	s24 =	sshrl.u32 s9, $0x1;
	s26 =	sshrl.u32 s10, $0x2  }
0xb: {  	s8 =	sadd.s32 s8, s7;
	s7 =	sadd.s32 $0x72C00, s0;
	s17 =	ssub.s32 s9, s24  }
0xc: {  	s30 =	sadd.s32 s26, s2;
	s9 =	sor.u32 $0x1C0F, s28;
	s26 =	simm.s32 $0x50  }
0xd: {  	s8 =	sshrl.u32 s8, $0x3;
	s17 =	smax.u32 s17, $0x1;
	s18 =	sshrl.u32 s30, $0x3  }
.Ltmp0:
0xe: {  	s0 =	sadd.s32 s8, s0;
	s8 =	sor.u32 s25, s3;
	(pc) =	sbr.rel .LBB2_1-.Ltmp0, $4  }
0xf: {  	s25 =	simm.s32 $0x1;
	s14 =	sshrl.u32 s8, $0x3;
	s16 =	sadd.s32 $0x75400, s0  }
0x10: {  	s0 =	simm.s32 $0x0;
	s10 =	sadd.s32 s5, s14;
	s13 =	sor.u32 $0x10, s14  }
0x11: {  	s11 =	sadd.s32 s6, s14;
	s15 =	sor.u32 $0x20, s14;
	s12 =	sadd.s32 s5, s13  }
0x12: {  	s13 =	sadd.s32 s6, s13;
	s14 =	sadd.s32 s5, s15;
	s15 =	sadd.s32 s6, s15  }
.LBB2_7:
0x13: {  	_ =	swait.ge [sflag:s31], $0x2800  }
0x14: {  	s0 =	sadd.s32 $0x1, s0;
	[sflag:s31] =	ssyncset.done $0x0  }
0x15: {  	p0 =	sne.s32 s0, s17;
	[sflag:s31] =	ssyncadd.s32 $0xFFFFD800  }
.Ltmp1:
0x16: {  	[bflag:$0x0] =	sbarrier.arrive $0xFFFF;
	(pc) =	sbr.rel @!p0 .LBB2_8-.Ltmp1, $4  }
0x17: {  	[hbm:s16], [sflag:s9] =	dma.local [spmem:s18], $0x2800  }
0x18: {  	_ =	swait.ge [sflag:s19], $0x2800  }
0x19: {  	[sflag:s19] =	ssyncset.done $0x0  }
0x1a: {  	[sflag:s19] =	ssyncadd.s32 $0xFFFFD800  }
.LBB2_1:
0x1b: {  	[spmem:s18], [sflag:s9] =	dma.local [hbm:s7], $0x2800  }
0x1c: {  	_ =	swait.ge [sflag:s19], $0x2800  }
0x1d: {  	[sflag:s19] =	ssyncset.done $0x0  }
0x1e: {  	[sflag:s19] =	ssyncadd.s32 $0xFFFFD800  }
0x1f: {  	[tilespmem:s4], [sflag:$0x1] =	stream.linear.gather [hbm4b:s10+s4], $0x80, $0x38;
	[tilespmem:$0x1BC00] =	vst v63  }
0x20: {  	s3 =	simm.s32 $0x200  }
0x21: {  	[tilespmem:s3], [sflag:$0x5] =	stream.linear.gather [hbm4b:s11+s4], $0x80, $0x38;
	[tilespmem:$0x1BC00] =	vst v63  }
0x22: {  	_ = 	snop  }
0x23: {  	[tilespmem:s21], [sflag:$0x2] =	stream.linear.gather [hbm4b:s12+s4], $0x80, $0x38;
	[tilespmem:$0x1BC00] =	vst v63  }
0x24: {  	s22 =	simm.s32 $0x280  }
0x25: {  	[tilespmem:s22], [sflag:$0x6] =	stream.linear.gather [hbm4b:s13+s4], $0x80, $0x38;
	[tilespmem:$0x1BC00] =	vst v63  }
0x26: {  	s23 =	simm.s32 $0x100  }
0x27: {  	[tilespmem:s23], [sflag:$0x3] =	stream.linear.gather [hbm4b:s14+s4], $0x80, $0x38;
	[tilespmem:$0x1BC00] =	vst v63  }
0x28: {  	s24 =	simm.s32 $0x300  }
0x29: {  	[tilespmem:s24], [sflag:$0x7] =	stream.linear.gather [hbm4b:s15+s4], $0x80, $0x38;
	[tilespmem:$0x1BC00] =	vst v63  }
0x2a: {  	_ =	swait.ge [sflag:s25], $0x80  }
0x2b: {  	[sflag:s25] =	ssyncset.done $0x0  }
0x2c: {  	s28 =	simm.s32 $0x400;
	[sflag:s25] =	ssyncadd.s32 $0xFFFFFF80  }
0x2d: {  	[tilespmem:s28], [sflag:$0x9] =	stream.indirect.gather [hbm4b:s1+s26], $0x80, s4, s26, $0xb8;
	[tilespmem:$0x1BC00] =	vst v63  }
0x2e: {  	_ =	swait.ge [sflag:s29], $0x80  }
.Ltmp2:
0x2f: {  	[sflag:s29] =	ssyncset.done $0x0;
	(pc) =	sbr.rel .LBB2_2-.Ltmp2, $4  }
0x30: {  	s30 =	simm.s32 $0x2C00;
	[sflag:s29] =	ssyncadd.s32 $0xFFFFFF80  }
0x31: {  	[tilespmem:s30], [sflag:$0xA] =	stream.indirect.gather [hbm4b:s1+s26], $0x80, s21, s26, $0xb8;
	[tilespmem:$0x1BC00] =	vst v63  }
0x32: {  	[bflag:$0x0] =	sbarrier.arrive $0xFFFF  }
0x33: {  	s20 =	simm.s32 $0x0;
	s3 =	simm.s32 $0x180  }
.LBB2_3:
0x34: {  	s22 =	sand.u32 $0x7C00, s3  }
0x35: {  	s23 =	sand.u32 $0x380, s3;
	s22 =	sadd.s32 s8, s22  }
0x36: {  	s24 =	sadd.s32 $0xFFFFFFFF, s20;
	s22 =	sor.u32 s23, s22  }
0x37: {  	s23 =	sand.u32 $0x3, s24;
	s22 =	sshrl.u32 s22, $0x3  }
0x38: {  	s24 =	sshll.u32 s23, $0x7;
	s28 =	sadd.s32 $0x1, s23;
	s30 =	sadd.s32 s5, s22  }
0x39: {  	[tilespmem:s24], [sflag:s28] =	stream.linear.gather [hbm4b:s30+s4], $0x80, $0x38;
	[tilespmem:$0x1BC00] =	vst v63  }
0x3a: {  	s23 =	sadd.s32 $0x5, s23;
	s22 =	sadd.s32 s6, s22;
	s24 =	sor.u32 $0x200, s24  }
0x3b: {  	[tilespmem:s24], [sflag:s23] =	stream.linear.gather [hbm4b:s22+s4], $0x80, $0x38;
	[tilespmem:$0x1BC00] =	vst v63  }
0x3c: {  	s23 =	smov.u32 s20  }
0x3d: {  	s23 =	simm.s32 @p0 $0x0  }
.LBB2_5:
0x3e: {  	s22 =	sadd.s32 $0x2, s20  }
0x3f: {  	s24 =	smul.u32 $0xAB, s22;
	_ =	sdelay $0x1  }
0x40: {  	s24 =	sshrl.u32 s24, $0x9  }
0x41: {  	s24 =	sand.u32 $0x7F, s24  }
0x42: {  	s24 =	smul.u32 $0x3, s24;
	_ =	sdelay $0x1  }
0x43: {  	s24 =	ssub.s32 s22, s24  }
0x44: {  	s22 =	sand.u32 $0x3, s22;
	s24 =	sand.u32 $0xFF, s24  }
0x45: {  	s28 =	sadd.s32 $0x1, s22;
	s30 =	smul.u32 $0xA000, s24  }
0x46: {  	_ =	swait.ge [sflag:s28], $0x80  }
0x47: {  	s22 =	sshll.u32 s22, $0x7;
	[sflag:s28] =	ssyncset.done $0x0;
	s30 =	sshrl.u32 s30, $0x2  }
0x48: {  	s24 =	sadd.s32 $0x9, s24;
	[sflag:s28] =	ssyncadd.s32 $0xFFFFFF80;
	s28 =	sor.u32 $0x400, s30  }
0x49: {  	[tilespmem:s28], [sflag:s24] =	stream.indirect.gather [hbm4b:s1+s26], $0x80, s22, s26, $0xb8;
	[tilespmem:$0x1BC00] =	vst v63  }
0x4a: {  	s22 =	smov.u32 s23  }
.LBB2_6:
0x4b: {  	s23 =	sand.u32 $0xFF, s22  }
0x4c: {  	s23 =	smul.u32 $0xAB, s23;
	_ =	sdelay $0x1  }
0x4d: {  	s23 =	sshrl.u32 s23, $0x9  }
0x4e: {  	s23 =	smul.u32 $0x3, s23;
	_ =	sdelay $0x1  }
0x4f: {  	s28 =	ssub.s32 s22, s23  }
0x50: {  	s22 =	sand.u32 $0xFF, s28  }
0x51: {  	s30 =	sadd.s32 $0x9, s22  }
0x52: {  	s24 =	sand.u32 $0x3, s20;
	s20 =	sadd.s32 $0x1, s20;
	_ =	swait.ge [sflag:s30], $0x2800  }
0x53: {  	p0 =	sne.s32 s20, $0x7D;
	s28 =	smul.u32 $0xA000, s22;
	[sflag:s30] =	ssyncset.done $0x0  }
.Ltmp3:
0x54: {  	[sflag:s30] =	ssyncadd.s32 $0xFFFFD800;
	s30 =	sadd.s32 $0x5, s24;
	(pc) =	sbr.rel @!p0 .LBB2_7-.Ltmp3, $4  }
0x55: {  	s3 =	sadd.s32 $0x80, s3;
	s22 =	sor.u32 $0xC, s22;
	_ =	swait.ge [sflag:s30], $0x80  }
0x56: {  	s28 =	sshrl.u32 s28, $0x2;
	s24 =	sshll.u32 s24, $0x7;
	[sflag:s30] =	ssyncset.done $0x0  }
0x57: {  	s28 =	sor.u32 $0x400, s28;
	s24 =	sor.u32 $0x200, s24;
	[sflag:s30] =	ssyncadd.s32 $0xFFFFFF80  }
0x58: {  	[spmem:s2] =	stream.indirect.scatter.add.f32 [tilespmem:s28], [sflag:s22], $0x80, s24, s26, $0xb8;
	[tilespmem:$0x1BC00] =	vst v63  }
.LBB2_2:
0x59: {  	p0 =	seq.s32 s20, $0x0  }
0x5a: {  	s22 =	sadd.s32 @!p0 $0x2, s20  }
0x5b: {  	s23 =	sand.u32 @!p0 $0xFF, s22  }
0x5c: {  	s23 =	smul.u32 @!p0 $0xAB, s23;
	_ =	sdelay $0x1  }
0x5d: {  	s23 =	sshrl.u32 @!p0 s23, $0x9  }
0x5e: {  	s23 =	smul.u32 @!p0 $0x3, s23  }
0x5f: {  	p1 =	sgt.u32 @!p0 s20, $0x79  }
0x60: {  	p1 =	por p0, !p1;
	s22 =	ssub.s32 @!p0 s22, s23  }
.Ltmp4:
0x61: {  	s22 =	sor.u32 @!p0 $0xC, s22;
	(pc) =	sbr.rel @p1 .LBB2_3-.Ltmp4, $4  }
0x62: {  	s22 =	sand.u32 @!p0 $0xFF, s22  }
0x63: {  	_ =	swait.ge @!p0 [sflag:s22], $0x2800  }
0x64: {  	[sflag:s22] =	ssyncset.done @!p0 $0x0  }
0x65: {  	[sflag:s22] =	ssyncadd.s32 @!p0 $0xFFFFD800  }
0x66: {  	p0 =	sne.s32 s20, $0x7A  }
.Ltmp5:
0x67: {  	_ = 	snop;
	(pc) =	sbr.rel @p0 .LBB2_6-.Ltmp5, $4  }
.Ltmp6:
0x68: {  	_ = 	snop;
	(pc) =	sbr.rel @!p0 .LBB2_5-.Ltmp6, $4  }
0x69: {  	_ = 	snop  }
0x6a: {  	_ = 	snop  }
0x6b: {  	s23 =	simm.s32 $0x7A;
	s22 =	smov.u32 s20  }
0x6c: {  	_ = 	snop  }
.LBB2_8:
0x6d: {  	_ =	sfence.sel $0x180000  }
0x6e: {  	[bflag:$0x0] =	sbarrier.arrive $0xFFFF  }
0x6f: {  	_ =	strace $0x9000004A  }
0x70: {  	s0 =	stileid.u32;
	[bflag:$0x2] =	sbarrier.arrive $0xFFFF  }
0x71: {  	p0 =	sne.s32 s0, $0x0;
	s0 =	rddreg [dreg:$0x3]  }
0x72: {  	s0 =	sadd.s32 @!p0 $0x100000, s0  }
0x73: {  	[sflag:s0] =	ssyncadd.tile.s32 @!p0 $0x1;
	_ =	shalt  }
.Lfunc_end2:
_tile_overlayer_lowered:
.L_overlay_start_2:
0x74: {  	(tag) =	ssettag $0x2  }
0x75: {  	s0 =	rddreg [dreg:$0x0];
	s2 =	stileid.u32  }
0x76: {  	s1 =	rddreg [dreg:$0x1];
	p0 =	sne.s32 s2, $0x0  }
0x77: {  	s3 =	rddreg [dreg:$0x2];
	[bflag:$0x3] =	sbarrier.arrive $0xFFFF;
	s2 =	simm.s32 @!p0 $0x1C0F  }
0x78: {  	[timem:s3], [sflag:s2] =	dma.local @!p0 [hbm:s0], s1  }
0x79: {  	s0 =	simm.s32 @!p0 $0xF  }
0x7a: {  	_ =	swait.ge @!p0 [sflag:s0], s1  }
0x7b: {  	s1 =	ssub.s32 @!p0 $0x0, s1;
	[sflag:s0] =	ssyncset.done @!p0 $0x0  }
0x7c: {  	[sflag:s0] =	ssyncadd.s32 @!p0 s1  }
0x7d: {  	[bflag:$0x3] =	sbarrier.arrive $0xFFFF  }
0x7e: {  	_ =	shalt  }

// kernel: kernel.14.cloned.1.call-start
scs
__scs_entry_jumppad:
0x0: {  	(pc) =	sbr.rel $0x88, $3  }
0x1: {  	(tag) =	ssettag $0x0;
	lr =	simm.s32 $0x1  }
0x2: {  	[smem:$0x3F9B] =	sst lr;
	_ =	strace $0xD0000000  }
0x3: {  	_ = 	snop  }
0x4: {  	_ = 	snop  }
0x5: {  	_ = 	snop  }
0x6: {  	_ = 	snop  }
0x7: {  	_ = 	snop  }
__scs_overlays_trampoline_lowered:
0x8: {  	[smem:$0x3FAA] =	sst s0  }
0x9: {  	[smem:$0x3FAB] =	sst s1  }
0xa: {  	[smem:$0x3FAC] =	sst s2  }
0xb: {  	[smem:$0x3FAD] =	sst s3  }
0xc: {  	[smem:$0x3FAE] =	sst s4  }
0xd: {  	[smem:$0x3FAF] =	sst s5  }
0xe: {  	[smem:$0x3FB0] =	sst s6  }
0xf: {  	[smem:$0x3FB1] =	sst s7  }
0x10: {  	[smem:$0x3FB2] =	sst s8  }
0x11: {  	[smem:$0x3FB3] =	sst s9;
	s0 =	simm.s32 @!p0 $0x0  }
0x12: {  	s1 =	sld [smem:$0x3F99];
	s0 =	simm.s32 @p0 $0x1  }
0x13: {  	[smem:$0x3FB4] =	sst s0;
	s0 =	simm.s32 @!p1 $0x0  }
0x14: {  	s2 =	sld [smem:$0x3F98];
	s0 =	simm.s32 @p1 $0x1  }
0x15: {  	[smem:$0x3FB5] =	sst s0;
	s0 =	simm.s32 @!p2 $0x0  }
0x16: {  	s3 =	sld [smem:$0x3FDB];
	s0 =	simm.s32 @p2 $0x1  }
0x17: {  	s4 =	simm.s32 $0x1BF5;
	[smem:$0x3FB7] =	sst s0  }
0x18: {  	s0 =	sld [smem:$0x3F9A];
	_ =	swait.ge [sflag:s4], $0x0  }
0x19: {  	s7 =	sld [smem:$0x3F9B]  }
0x1a: {  	s8 =	sadd.s32 $0xFFFFE003, lr  }
0x1b: {  	s9 =	sadd.s32 $0xFFFFFEF7, lr;
	s5 =	simm.s32 $0xFFFFFFFF;
	p2 =	slt.u32 s8, $0xFFFFF086  }
0x1c: {  	p1 =	slt.u32 s9, $0xF7A;
	s5 =	simm.s32 @!p2 $0x0  }
0x1d: {  	s5 =	simm.s32 @p1 $0x1;
	p0 =	seq.s32 s7, s2  }
0x1e: {  	s7 =	smul.u32 @!p0 $0xF7A, s2;
	p2 =	seq.s32 @!p0 s5, $0x0  }
0x1f: {  	s9 =	smul.u32 $0xF7A, s1;
	s8 =	simm.s32 @!p0 $0x1BF5;
	p2 =	por !p2, p0  }
0x20: {  	[sflag:s8] =	ssyncset.s32 @!p0 $0xFFFFF086;
	s6 =	sadd.s32 @!p0 s3, s7;
	s7 =	simm.s32 @!p0 $0x108  }
0x21: {  	s3 =	sadd.s32 s3, s9;
	s6 =	sadd.s32 @!p0 $0x88, s6;
	s7 =	simm.s32 @p2 $0x1082  }
0x22: {  	[simem:s7], [sflag:s8] =	dma.local @!p0 [hbm:s6], $0xF7A  }
0x23: {  	s9 =	sor.u32 $0xD0000000, s2;
	s6 =	simm.s32 $0x108;
	_ =	swait.ge @!p0 [sflag:s8], $0x0  }
0x24: {  	s3 =	sadd.s32 $0x88, s3;
	s6 =	simm.s32 @!p1 $0x1082;
	[sflag:s4] =	ssyncset.s32 $0xFFFFF086  }
0x25: {  	[simem:s6], [sflag:s4] =	dma.local [hbm:s3], $0xF7A  }
0x26: {  	[smem:$0x3F9B] =	sst s1;
	(tag) =	ssettag s2;
	_ =	strace s9  }
0x27: {  	s1 =	sld [smem:$0x3FAB]  }
0x28: {  	s2 =	sld [smem:$0x3FAC]  }
0x29: {  	s4 =	sld [smem:$0x3FAE]  }
0x2a: {  	p0 =	seq.s32 s5, $0x0;
	s5 =	sld [smem:$0x3FAF]  }
0x2b: {  	s6 =	sld [smem:$0x3FB0]  }
0x2c: {  	s7 =	sld [smem:$0x3FB1]  }
0x2d: {  	s3 =	simm.s32 $0x108;
	s8 =	sld [smem:$0x3FB2]  }
0x2e: {  	s3 =	simm.s32 @!p0 $0x1082;
	s9 =	sld [smem:$0x3FB3]  }
0x2f: {  	lr =	sadd.s32 s0, s3;
	s0 =	sld [smem:$0x3FAA]  }
0x30: {  	s3 =	sld [smem:$0x3FAD]  }
0x31: {  	[smem:$0x3FB6] =	sst s10  }
0x32: {  	s10 =	sld [smem:$0x3FB4];
	_ =	sdelay $0x3  }
0x33: {  	p0 =	seq.s32 s10, $0x1;
	s10 =	sld [smem:$0x3FB6];
	_ =	sdelay $0x3  }
0x34: {  	[smem:$0x3FB6] =	sst s10  }
0x35: {  	s10 =	sld [smem:$0x3FB5];
	_ =	sdelay $0x3  }
0x36: {  	p1 =	seq.s32 s10, $0x1;
	s10 =	sld [smem:$0x3FB6];
	_ =	sdelay $0x3  }
0x37: {  	[smem:$0x3FB6] =	sst s10  }
0x38: {  	s10 =	sld [smem:$0x3FB7]  }
0x39: {  	_ = 	snop;
	(pc) =	sbr.ind lr, $3  }
0x3a: {  	_ = 	snop  }
0x3b: {  	_ = 	snop  }
0x3c: {  	p2 =	seq.s32 s10, $0x1;
	s10 =	sld [smem:$0x3FB6]  }
0x3d: {  	_ =	shalt  }
0x3e: {  	_ =	shalt  }
0x3f: {  	_ =	shalt  }
0x40: {  	_ =	shalt  }
0x41: {  	_ =	shalt  }
0x42: {  	_ =	shalt  }
0x43: {  	_ =	shalt  }
0x44: {  	_ =	shalt  }
0x45: {  	_ =	shalt  }
0x46: {  	_ =	shalt  }
0x47: {  	_ =	shalt  }
0x48: {  	_ =	shalt  }
0x49: {  	_ =	shalt  }
0x4a: {  	_ =	shalt  }
0x4b: {  	_ =	shalt  }
0x4c: {  	_ =	shalt  }
0x4d: {  	_ =	shalt  }
0x4e: {  	_ =	shalt  }
0x4f: {  	_ =	shalt  }
0x50: {  	_ =	shalt  }
0x51: {  	_ =	shalt  }
0x52: {  	_ =	shalt  }
0x53: {  	_ =	shalt  }
0x54: {  	_ =	shalt  }
0x55: {  	_ =	shalt  }
0x56: {  	_ =	shalt  }
0x57: {  	_ =	shalt  }
0x58: {  	_ =	shalt  }
0x59: {  	_ =	shalt  }
0x5a: {  	_ =	shalt  }
0x5b: {  	_ =	shalt  }
0x5c: {  	_ =	shalt  }
0x5d: {  	_ =	shalt  }
0x5e: {  	_ =	shalt  }
0x5f: {  	_ =	shalt  }
0x60: {  	_ =	shalt  }
0x61: {  	_ =	shalt  }
0x62: {  	_ =	shalt  }
0x63: {  	_ =	shalt  }
0x64: {  	_ =	shalt  }
0x65: {  	_ =	shalt  }
0x66: {  	_ =	shalt  }
0x67: {  	_ =	shalt  }
0x68: {  	_ =	shalt  }
0x69: {  	_ =	shalt  }
0x6a: {  	_ =	shalt  }
0x6b: {  	_ =	shalt  }
0x6c: {  	_ =	shalt  }
0x6d: {  	_ =	shalt  }
0x6e: {  	_ =	shalt  }
0x6f: {  	_ =	shalt  }
0x70: {  	_ =	shalt  }
0x71: {  	_ =	shalt  }
0x72: {  	_ =	shalt  }
0x73: {  	_ =	shalt  }
0x74: {  	_ =	shalt  }
0x75: {  	_ =	shalt  }
0x76: {  	_ =	shalt  }
0x77: {  	_ =	shalt  }
0x78: {  	_ =	shalt  }
0x79: {  	_ =	shalt  }
0x7a: {  	_ =	shalt  }
0x7b: {  	_ =	shalt  }
0x7c: {  	_ =	shalt  }
0x7d: {  	_ =	shalt  }
0x7e: {  	_ =	shalt  }
0x7f: {  	_ =	shalt  }
0x80: {  	_ =	shalt  }
0x81: {  	_ =	shalt  }
0x82: {  	_ =	shalt  }
0x83: {  	_ =	shalt  }
0x84: {  	_ =	shalt  }
0x85: {  	_ =	shalt  }
0x86: {  	_ =	shalt  }
0x87: {  	_ =	shalt  }
.Lfunc_end0:
.L_simem_size_0:
called_computation.2_lowered:
.L_overlay_start_0:
0x88: {  	s2 =	sld [smem:$0x3FD9]  }
0x89: {  	s3 =	sld [smem:$0x3FFE];
	_ =	sdelay $0x1  }
0x8a: {  	s1 =	srdreg.scid  }
0x8b: {  	s0 =	sand.u32 $0x1, s1  }
0x8c: {  	s17 =	sshll.u32 s0, $0xA;
	s2 =	sadd.s32 s3, s2  }
0x8d: {  	s2 =	sadd.s32 s2, s17  }
0x8e: {  	[smem:$0x3FC2] =	sst s2  }
0x8f: {  	_ = 	snop  }
0x90: {  	s2 =	sld [smem:$0x3FD0];
	(tm) =	ssettm $0x1  }
0x91: {  	s18 =	sld [smem:$0x3FFB];
	_ =	sdelay $0x3  }
0x92: {  	_ =	strace s18  }
0x93: {  	s3 =	sld [smem:$0x3FFC];
	_ =	sdelay $0x3  }
0x94: {  	_ =	strace s3  }
0x95: {  	s3 =	sld [smem:$0x3FFD];
	_ =	sdelay $0x3  }
0x96: {  	_ =	strace s3  }
0x97: {  	_ =	strace $0x8FFFFFFF  }
0x98: {  	s19 =	sld [smem:$0x3FDB];
	_ =	sdelay $0x1  }
0x99: {  	s4 =	simm.s32 $_scs_section_size  }
0x9a: {  	s5 =	simm.s32 $_size__tile_overlayer_lowered;
	s6 =	simm.s32 $_tile_overlayer_lowered  }
0x9b: {  	s22 =	simm.s32 $0x1BFF;
	s21 =	sshll.u32 s6, $0x1;
	s3 =	sadd.s32 s4, s19  }
0x9c: {  	s7 =	simm.s32 $0x0;
	s20 =	sshll.u32 s5, $0x1;
	s5 =	sadd.s32 s21, s3  }
0x9d: {  	[timem:s7], [sflag:s22] =	dma.local [hbm:s5], s20  }
0x9e: {  	_ =	swait.ge [sflag:s22], s20  }
0x9f: {  	s4 =	ssub.s32 $0x0, s20;
	[sflag:s22] =	ssyncset.done $0x0  }
0xa0: {  	[sflag:s22] =	ssyncadd.s32 s4;
	_ =	sdelay $0x1  }
0xa1: {  	s23 =	simm.s32 $0x1B8B  }
0xa2: {  	_ =	swait.ge [sflag:s23], $0x1  }
0xa3: {  	[sflag:s23] =	ssyncset.done $0x0  }
0xa4: {  	s25 =	simm.s32 $0x1B8E;
	s24 =	sld [smem:$0x3FFE];
	[sflag:s23] =	ssyncadd.s32 $0xFFFFFFFF  }
0xa5: {  	s26 =	simm.s32 $execute0_lowered;
	[smem:$0x3FD2] =	sst s25  }
0xa6: {  	s5 =	sshll.u32 s26, $0x1;
	_ =	strace $0x8000004C;
	[dreg:$0x1] =	wrdreg $0xFFFFFFFF  }
0xa7: {  	s28 =	simm.s32 $_size_execute0_lowered;
	s3 =	sadd.s32 s3, s5;
	[dreg:$0x0] =	wrdreg $0x0  }
0xa8: {  	s5 =	sshll.u32 s28, $0x1;
	[dreg:$0x2] =	wrdreg s3  }
0xa9: {  	[dreg:$0x3] =	wrdreg s5  }
0xaa: {  	[dreg:$0x4] =	wrdreg $0xC0  }
0xab: {  	_ =	task [dreg:s7], $0x5FFFF  }
0xac: {  	[dreg:$0x1] =	wrdreg $0xFFFFFFFF  }
0xad: {  	[dreg:$0x0] =	wrdreg $0x60  }
0xae: {  	[dreg:$0x2] =	wrdreg s2  }
0xaf: {  	[dreg:$0x3] =	wrdreg s24  }
0xb0: {  	[dreg:$0x4] =	wrdreg $0x7C000  }
0xb1: {  	[dreg:$0x5] =	wrdreg $0x9  }
0xb2: {  	_ =	task.clear_ibuf [dreg:s7], $0x6FFFF;
	_ =	strace $0x9000004C  }
0xb3: {  	s29 =	simm.s32 $0x9;
	_ =	strace $0x8000004E  }
0xb4: {  	_ =	swait.ge [sflag:s29], $0x1  }
0xb5: {  	[sflag:s29] =	ssyncadd.s32 $0xFFFFFFFF  }
0xb6: {  	_ =	strace $0x9000004E  }
0xb7: {  	_ =	sfence  }
0xb8: {  	s30 =	sld [smem:$0x0];
	_ =	sdelay $0x2  }
0xb9: {  	s31 =	sshll.u32 s1, $0xD;
	s1 =	sshrl.u32 s1, $0x2  }
0xba: {  	s3 =	sand.u32 $0x4000, s31;
	s1 =	sadd.s32 s1, s30  }
0xbb: {  	s0 =	sor.u32 s3, s0;
	s1 =	sshll.u32 s1, $0x11  }
0xbc: {  	s0 =	sor.u32 s1, s0  }
0xbd: {  	s0 =	sadd.s32 $0x8F2B, s0  }
0xbe: {  	[sflag:s0] =	ssyncadd.remote.s32 $0x1  }
0xbf: {  	_ =	sfence.sel $0xFFFF  }
0xc0: {  	[dreg:$0x0] =	wrdreg $0xFFFFFFFF;
	(pc) =	sbr.abs _section_cstart, $3  }
0xc1: {  	[dreg:$0x1] =	wrdreg $0xFFFFFFFF  }
0xc2: {  	_ =	task.clear_ibuf [dreg:s7], $0x2FFFF;
	_ =	strace $0x9FFFFFFF  }
0xc3: {  	(tm) =	ssettm $0x7FFFFFFF  }
tec
execute0_lowered:
.L_overlay_start_1:
0x0: {  	(tag) =	ssettag $0x1  }
0x1: {  	s1 =	rddreg [dreg:$0x0]  }
0x2: {  	s0 =	rddreg [dreg:$0x1]  }
0x3: {  	s2 =	rddreg [dreg:$0x2]  }
0x4: {  	s3 =	srdreg.scid;
	s4 =	simm.s32 $0x0;
	s11 =	stileid.u32  }
0x5: {  	s19 =	simm.s32 $0xF;
	s21 =	simm.s32 $0x80;
	s29 =	simm.s32 $0x2  }
0x6: {  	s31 =	simm.s32 $0xD;
	s3 =	sand.u32 $0x1, s3;
	[smem:$0x7FF] =	sst s4  }
0x7: {  	s8 =	smul.u32 $0x14000, s11;
	s5 =	sadd.s32 $0x12C00, s0;
	s6 =	sadd.s32 $0x2800, s0  }
0x8: {  	s10 =	smul.u32 $0x50000, s11;
	s25 =	sshll.u32 s11, $0xE;
	s28 =	sshll.u32 s11, $0x6  }
0x9: {  	s7 =	smul.u32 $0x140000, s3;
	_ =	strace $0x8000004D;
	s9 =	ssub.s32 $0x2, s3  }
0xa: {  	s3 =	sshll.u32 s3, $0x12;
	s24 =	sshrl.u32 s9, $0x1;
	s26 =	sshrl.u32 s10, $0x2  }
0xb: {  	s8 =	sadd.s32 s8, s7;
	s7 =	sadd.s32 $0x72C00, s0;
	s17 =	ssub.s32 s9, s24  }
0xc: {  	s30 =	sadd.s32 s26, s2;
	s9 =	sor.u32 $0x1C0F, s28;
	s26 =	simm.s32 $0x50  }
0xd: {  	s8 =	sshrl.u32 s8, $0x3;
	s17 =	smax.u32 s17, $0x1;
	s18 =	sshrl.u32 s30, $0x3  }
.Ltmp0:
0xe: {  	s0 =	sadd.s32 s8, s0;
	s8 =	sor.u32 s25, s3;
	(pc) =	sbr.rel .LBB2_1-.Ltmp0, $4  }
0xf: {  	s25 =	simm.s32 $0x1;
	s14 =	sshrl.u32 s8, $0x3;
	s16 =	sadd.s32 $0x75400, s0  }
0x10: {  	s0 =	simm.s32 $0x0;
	s10 =	sadd.s32 s5, s14;
	s13 =	sor.u32 $0x10, s14  }
0x11: {  	s11 =	sadd.s32 s6, s14;
	s15 =	sor.u32 $0x20, s14;
	s12 =	sadd.s32 s5, s13  }
0x12: {  	s13 =	sadd.s32 s6, s13;
	s14 =	sadd.s32 s5, s15;
	s15 =	sadd.s32 s6, s15  }
.LBB2_7:
0x13: {  	_ =	swait.ge [sflag:s31], $0x2800  }
0x14: {  	s0 =	sadd.s32 $0x1, s0;
	[sflag:s31] =	ssyncset.done $0x0  }
0x15: {  	p0 =	sne.s32 s0, s17;
	[sflag:s31] =	ssyncadd.s32 $0xFFFFD800  }
.Ltmp1:
0x16: {  	[bflag:$0x0] =	sbarrier.arrive $0xFFFF;
	(pc) =	sbr.rel @!p0 .LBB2_8-.Ltmp1, $4  }
0x17: {  	[hbm:s16], [sflag:s9] =	dma.local [spmem:s18], $0x2800  }
0x18: {  	_ =	swait.ge [sflag:s19], $0x2800  }
0x19: {  	[sflag:s19] =	ssyncset.done $0x0  }
0x1a: {  	[sflag:s19] =	ssyncadd.s32 $0xFFFFD800  }
.LBB2_1:
0x1b: {  	[spmem:s18], [sflag:s9] =	dma.local [hbm:s7], $0x2800  }
0x1c: {  	_ =	swait.ge [sflag:s19], $0x2800  }
0x1d: {  	[sflag:s19] =	ssyncset.done $0x0  }
0x1e: {  	[sflag:s19] =	ssyncadd.s32 $0xFFFFD800  }
0x1f: {  	[tilespmem:s4], [sflag:$0x1] =	stream.linear.gather [hbm4b:s10+s4], $0x80, $0x38;
	[tilespmem:$0x1BC00] =	vst v63  }
0x20: {  	s3 =	simm.s32 $0x200  }
0x21: {  	[tilespmem:s3], [sflag:$0x5] =	stream.linear.gather [hbm4b:s11+s4], $0x80, $0x38;
	[tilespmem:$0x1BC00] =	vst v63  }
0x22: {  	_ = 	snop  }
0x23: {  	[tilespmem:s21], [sflag:$0x2] =	stream.linear.gather [hbm4b:s12+s4], $0x80, $0x38;
	[tilespmem:$0x1BC00] =	vst v63  }
0x24: {  	s22 =	simm.s32 $0x280  }
0x25: {  	[tilespmem:s22], [sflag:$0x6] =	stream.linear.gather [hbm4b:s13+s4], $0x80, $0x38;
	[tilespmem:$0x1BC00] =	vst v63  }
0x26: {  	s23 =	simm.s32 $0x100  }
0x27: {  	[tilespmem:s23], [sflag:$0x3] =	stream.linear.gather [hbm4b:s14+s4], $0x80, $0x38;
	[tilespmem:$0x1BC00] =	vst v63  }
0x28: {  	s24 =	simm.s32 $0x300  }
0x29: {  	[tilespmem:s24], [sflag:$0x7] =	stream.linear.gather [hbm4b:s15+s4], $0x80, $0x38;
	[tilespmem:$0x1BC00] =	vst v63  }
0x2a: {  	_ =	swait.ge [sflag:s25], $0x80  }
0x2b: {  	[sflag:s25] =	ssyncset.done $0x0  }
0x2c: {  	s28 =	simm.s32 $0x400;
	[sflag:s25] =	ssyncadd.s32 $0xFFFFFF80  }
0x2d: {  	[tilespmem:s28], [sflag:$0x9] =	stream.indirect.gather [hbm4b:s1+s26], $0x80, s4, s26, $0xb8;
	[tilespmem:$0x1BC00] =	vst v63  }
0x2e: {  	_ =	swait.ge [sflag:s29], $0x80  }
.Ltmp2:
0x2f: {  	[sflag:s29] =	ssyncset.done $0x0;
	(pc) =	sbr.rel .LBB2_2-.Ltmp2, $4  }
0x30: {  	s30 =	simm.s32 $0x2C00;
	[sflag:s29] =	ssyncadd.s32 $0xFFFFFF80  }
0x31: {  	[tilespmem:s30], [sflag:$0xA] =	stream.indirect.gather [hbm4b:s1+s26], $0x80, s21, s26, $0xb8;
	[tilespmem:$0x1BC00] =	vst v63  }
0x32: {  	[bflag:$0x0] =	sbarrier.arrive $0xFFFF  }
0x33: {  	s20 =	simm.s32 $0x0;
	s3 =	simm.s32 $0x180  }
.LBB2_3:
0x34: {  	s22 =	sand.u32 $0x7C00, s3  }
0x35: {  	s23 =	sand.u32 $0x380, s3;
	s22 =	sadd.s32 s8, s22  }
0x36: {  	s24 =	sadd.s32 $0xFFFFFFFF, s20;
	s22 =	sor.u32 s23, s22  }
0x37: {  	s23 =	sand.u32 $0x3, s24;
	s22 =	sshrl.u32 s22, $0x3  }
0x38: {  	s24 =	sshll.u32 s23, $0x7;
	s28 =	sadd.s32 $0x1, s23;
	s30 =	sadd.s32 s5, s22  }
0x39: {  	[tilespmem:s24], [sflag:s28] =	stream.linear.gather [hbm4b:s30+s4], $0x80, $0x38;
	[tilespmem:$0x1BC00] =	vst v63  }
0x3a: {  	s23 =	sadd.s32 $0x5, s23;
	s22 =	sadd.s32 s6, s22;
	s24 =	sor.u32 $0x200, s24  }
0x3b: {  	[tilespmem:s24], [sflag:s23] =	stream.linear.gather [hbm4b:s22+s4], $0x80, $0x38;
	[tilespmem:$0x1BC00] =	vst v63  }
0x3c: {  	s23 =	smov.u32 s20  }
0x3d: {  	s23 =	simm.s32 @p0 $0x0  }
.LBB2_5:
0x3e: {  	s22 =	sadd.s32 $0x2, s20  }
0x3f: {  	s24 =	smul.u32 $0xAB, s22;
	_ =	sdelay $0x1  }
0x40: {  	s24 =	sshrl.u32 s24, $0x9  }
0x41: {  	s24 =	sand.u32 $0x7F, s24  }
0x42: {  	s24 =	smul.u32 $0x3, s24;
	_ =	sdelay $0x1  }
0x43: {  	s24 =	ssub.s32 s22, s24  }
0x44: {  	s22 =	sand.u32 $0x3, s22;
	s24 =	sand.u32 $0xFF, s24  }
0x45: {  	s28 =	sadd.s32 $0x1, s22;
	s30 =	smul.u32 $0xA000, s24  }
0x46: {  	_ =	swait.ge [sflag:s28], $0x80  }
0x47: {  	s22 =	sshll.u32 s22, $0x7;
	[sflag:s28] =	ssyncset.done $0x0;
	s30 =	sshrl.u32 s30, $0x2  }
0x48: {  	s24 =	sadd.s32 $0x9, s24;
	[sflag:s28] =	ssyncadd.s32 $0xFFFFFF80;
	s28 =	sor.u32 $0x400, s30  }
0x49: {  	[tilespmem:s28], [sflag:s24] =	stream.indirect.gather [hbm4b:s1+s26], $0x80, s22, s26, $0xb8;
	[tilespmem:$0x1BC00] =	vst v63  }
0x4a: {  	s22 =	smov.u32 s23  }
.LBB2_6:
0x4b: {  	s23 =	sand.u32 $0xFF, s22  }
0x4c: {  	s23 =	smul.u32 $0xAB, s23;
	_ =	sdelay $0x1  }
0x4d: {  	s23 =	sshrl.u32 s23, $0x9  }
0x4e: {  	s23 =	smul.u32 $0x3, s23;
	_ =	sdelay $0x1  }
0x4f: {  	s28 =	ssub.s32 s22, s23  }
0x50: {  	s22 =	sand.u32 $0xFF, s28  }
0x51: {  	s30 =	sadd.s32 $0x9, s22  }
0x52: {  	s24 =	sand.u32 $0x3, s20;
	s20 =	sadd.s32 $0x1, s20;
	_ =	swait.ge [sflag:s30], $0x2800  }
0x53: {  	p0 =	sne.s32 s20, $0x7D;
	s28 =	smul.u32 $0xA000, s22;
	[sflag:s30] =	ssyncset.done $0x0  }
.Ltmp3:
0x54: {  	[sflag:s30] =	ssyncadd.s32 $0xFFFFD800;
	s30 =	sadd.s32 $0x5, s24;
	(pc) =	sbr.rel @!p0 .LBB2_7-.Ltmp3, $4  }
0x55: {  	s3 =	sadd.s32 $0x80, s3;
	s22 =	sor.u32 $0xC, s22;
	_ =	swait.ge [sflag:s30], $0x80  }
0x56: {  	s28 =	sshrl.u32 s28, $0x2;
	s24 =	sshll.u32 s24, $0x7;
	[sflag:s30] =	ssyncset.done $0x0  }
0x57: {  	s28 =	sor.u32 $0x400, s28;
	s24 =	sor.u32 $0x200, s24;
	[sflag:s30] =	ssyncadd.s32 $0xFFFFFF80  }
0x58: {  	[spmem:s2] =	stream.indirect.scatter.add.f32 [tilespmem:s28], [sflag:s22], $0x80, s24, s26, $0xb8;
	[tilespmem:$0x1BC00] =	vst v63  }
.LBB2_2:
0x59: {  	p0 =	seq.s32 s20, $0x0  }
0x5a: {  	s22 =	sadd.s32 @!p0 $0x2, s20  }
0x5b: {  	s23 =	sand.u32 @!p0 $0xFF, s22  }
0x5c: {  	s23 =	smul.u32 @!p0 $0xAB, s23;
	_ =	sdelay $0x1  }
0x5d: {  	s23 =	sshrl.u32 @!p0 s23, $0x9  }
0x5e: {  	s23 =	smul.u32 @!p0 $0x3, s23  }
0x5f: {  	p1 =	sgt.u32 @!p0 s20, $0x79  }
0x60: {  	p1 =	por p0, !p1;
	s22 =	ssub.s32 @!p0 s22, s23  }
.Ltmp4:
0x61: {  	s22 =	sor.u32 @!p0 $0xC, s22;
	(pc) =	sbr.rel @p1 .LBB2_3-.Ltmp4, $4  }
0x62: {  	s22 =	sand.u32 @!p0 $0xFF, s22  }
0x63: {  	_ =	swait.ge @!p0 [sflag:s22], $0x2800  }
0x64: {  	[sflag:s22] =	ssyncset.done @!p0 $0x0  }
0x65: {  	[sflag:s22] =	ssyncadd.s32 @!p0 $0xFFFFD800  }
0x66: {  	p0 =	sne.s32 s20, $0x7A  }
.Ltmp5:
0x67: {  	_ = 	snop;
	(pc) =	sbr.rel @p0 .LBB2_6-.Ltmp5, $4  }
.Ltmp6:
0x68: {  	_ = 	snop;
	(pc) =	sbr.rel @!p0 .LBB2_5-.Ltmp6, $4  }
0x69: {  	_ = 	snop  }
0x6a: {  	_ = 	snop  }
0x6b: {  	s23 =	simm.s32 $0x7A;
	s22 =	smov.u32 s20  }
0x6c: {  	_ = 	snop  }
.LBB2_8:
0x6d: {  	_ =	sfence.sel $0x180000  }
0x6e: {  	[bflag:$0x0] =	sbarrier.arrive $0xFFFF  }
0x6f: {  	_ =	strace $0x9000004D  }
0x70: {  	s0 =	stileid.u32;
	[bflag:$0x2] =	sbarrier.arrive $0xFFFF  }
0x71: {  	p0 =	sne.s32 s0, $0x0;
	s0 =	rddreg [dreg:$0x3]  }
0x72: {  	s0 =	sadd.s32 @!p0 $0x100000, s0  }
0x73: {  	[sflag:s0] =	ssyncadd.tile.s32 @!p0 $0x1;
	_ =	shalt  }
.Lfunc_end2:
_tile_overlayer_lowered:
.L_overlay_start_2:
0x74: {  	(tag) =	ssettag $0x2  }
0x75: {  	s0 =	rddreg [dreg:$0x0];
	s2 =	stileid.u32  }
0x76: {  	s1 =	rddreg [dreg:$0x1];
	p0 =	sne.s32 s2, $0x0  }
0x77: {  	s3 =	rddreg [dreg:$0x2];
	[bflag:$0x3] =	sbarrier.arrive $0xFFFF;
	s2 =	simm.s32 @!p0 $0x1C0F  }
0x78: {  	[timem:s3], [sflag:s2] =	dma.local @!p0 [hbm:s0], s1  }
0x79: {  	s0 =	simm.s32 @!p0 $0xF  }
0x7a: {  	_ =	swait.ge @!p0 [sflag:s0], s1  }
0x7b: {  	s1 =	ssub.s32 @!p0 $0x0, s1;
	[sflag:s0] =	ssyncset.done @!p0 $0x0  }
0x7c: {  	[sflag:s0] =	ssyncadd.s32 @!p0 s1  }
0x7d: {  	[bflag:$0x3] =	sbarrier.arrive $0xFFFF  }
0x7e: {  	_ =	shalt  }

// kernel: kernel.8.cloned.1.call-start
scs
__scs_entry_jumppad:
0x0: {  	(pc) =	sbr.rel $0x88, $3  }
0x1: {  	(tag) =	ssettag $0x0;
	lr =	simm.s32 $0x1  }
0x2: {  	[smem:$0x3F9B] =	sst lr;
	_ =	strace $0xD0000000  }
0x3: {  	_ = 	snop  }
0x4: {  	_ = 	snop  }
0x5: {  	_ = 	snop  }
0x6: {  	_ = 	snop  }
0x7: {  	_ = 	snop  }
__scs_overlays_trampoline_lowered:
0x8: {  	[smem:$0x3FAA] =	sst s0  }
0x9: {  	[smem:$0x3FAB] =	sst s1  }
0xa: {  	[smem:$0x3FAC] =	sst s2  }
0xb: {  	[smem:$0x3FAD] =	sst s3  }
0xc: {  	[smem:$0x3FAE] =	sst s4  }
0xd: {  	[smem:$0x3FAF] =	sst s5  }
0xe: {  	[smem:$0x3FB0] =	sst s6  }
0xf: {  	[smem:$0x3FB1] =	sst s7  }
0x10: {  	[smem:$0x3FB2] =	sst s8  }
0x11: {  	[smem:$0x3FB3] =	sst s9;
	s0 =	simm.s32 @!p0 $0x0  }
0x12: {  	s1 =	sld [smem:$0x3F99];
	s0 =	simm.s32 @p0 $0x1  }
0x13: {  	[smem:$0x3FB4] =	sst s0;
	s0 =	simm.s32 @!p1 $0x0  }
0x14: {  	s2 =	sld [smem:$0x3F98];
	s0 =	simm.s32 @p1 $0x1  }
0x15: {  	[smem:$0x3FB5] =	sst s0;
	s0 =	simm.s32 @!p2 $0x0  }
0x16: {  	s3 =	sld [smem:$0x3FDB];
	s0 =	simm.s32 @p2 $0x1  }
0x17: {  	s4 =	simm.s32 $0x1BF5;
	[smem:$0x3FB7] =	sst s0  }
0x18: {  	s0 =	sld [smem:$0x3F9A];
	_ =	swait.ge [sflag:s4], $0x0  }
0x19: {  	s7 =	sld [smem:$0x3F9B]  }
0x1a: {  	s8 =	sadd.s32 $0xFFFFE003, lr  }
0x1b: {  	s9 =	sadd.s32 $0xFFFFFEF7, lr;
	s5 =	simm.s32 $0xFFFFFFFF;
	p2 =	slt.u32 s8, $0xFFFFF086  }
0x1c: {  	p1 =	slt.u32 s9, $0xF7A;
	s5 =	simm.s32 @!p2 $0x0  }
0x1d: {  	s5 =	simm.s32 @p1 $0x1;
	p0 =	seq.s32 s7, s2  }
0x1e: {  	s7 =	smul.u32 @!p0 $0xF7A, s2;
	p2 =	seq.s32 @!p0 s5, $0x0  }
0x1f: {  	s9 =	smul.u32 $0xF7A, s1;
	s8 =	simm.s32 @!p0 $0x1BF5;
	p2 =	por !p2, p0  }
0x20: {  	[sflag:s8] =	ssyncset.s32 @!p0 $0xFFFFF086;
	s6 =	sadd.s32 @!p0 s3, s7;
	s7 =	simm.s32 @!p0 $0x108  }
0x21: {  	s3 =	sadd.s32 s3, s9;
	s6 =	sadd.s32 @!p0 $0x88, s6;
	s7 =	simm.s32 @p2 $0x1082  }
0x22: {  	[simem:s7], [sflag:s8] =	dma.local @!p0 [hbm:s6], $0xF7A  }
0x23: {  	s9 =	sor.u32 $0xD0000000, s2;
	s6 =	simm.s32 $0x108;
	_ =	swait.ge @!p0 [sflag:s8], $0x0  }
0x24: {  	s3 =	sadd.s32 $0x88, s3;
	s6 =	simm.s32 @!p1 $0x1082;
	[sflag:s4] =	ssyncset.s32 $0xFFFFF086  }
0x25: {  	[simem:s6], [sflag:s4] =	dma.local [hbm:s3], $0xF7A  }
0x26: {  	[smem:$0x3F9B] =	sst s1;
	(tag) =	ssettag s2;
	_ =	strace s9  }
0x27: {  	s1 =	sld [smem:$0x3FAB]  }
0x28: {  	s2 =	sld [smem:$0x3FAC]  }
0x29: {  	s4 =	sld [smem:$0x3FAE]  }
0x2a: {  	p0 =	seq.s32 s5, $0x0;
	s5 =	sld [smem:$0x3FAF]  }
0x2b: {  	s6 =	sld [smem:$0x3FB0]  }
0x2c: {  	s7 =	sld [smem:$0x3FB1]  }
0x2d: {  	s3 =	simm.s32 $0x108;
	s8 =	sld [smem:$0x3FB2]  }
0x2e: {  	s3 =	simm.s32 @!p0 $0x1082;
	s9 =	sld [smem:$0x3FB3]  }
0x2f: {  	lr =	sadd.s32 s0, s3;
	s0 =	sld [smem:$0x3FAA]  }
0x30: {  	s3 =	sld [smem:$0x3FAD]  }
0x31: {  	[smem:$0x3FB6] =	sst s10  }
0x32: {  	s10 =	sld [smem:$0x3FB4];
	_ =	sdelay $0x3  }
0x33: {  	p0 =	seq.s32 s10, $0x1;
	s10 =	sld [smem:$0x3FB6];
	_ =	sdelay $0x3  }
0x34: {  	[smem:$0x3FB6] =	sst s10  }
0x35: {  	s10 =	sld [smem:$0x3FB5];
	_ =	sdelay $0x3  }
0x36: {  	p1 =	seq.s32 s10, $0x1;
	s10 =	sld [smem:$0x3FB6];
	_ =	sdelay $0x3  }
0x37: {  	[smem:$0x3FB6] =	sst s10  }
0x38: {  	s10 =	sld [smem:$0x3FB7]  }
0x39: {  	_ = 	snop;
	(pc) =	sbr.ind lr, $3  }
0x3a: {  	_ = 	snop  }
0x3b: {  	_ = 	snop  }
0x3c: {  	p2 =	seq.s32 s10, $0x1;
	s10 =	sld [smem:$0x3FB6]  }
0x3d: {  	_ =	shalt  }
0x3e: {  	_ =	shalt  }
0x3f: {  	_ =	shalt  }
0x40: {  	_ =	shalt  }
0x41: {  	_ =	shalt  }
0x42: {  	_ =	shalt  }
0x43: {  	_ =	shalt  }
0x44: {  	_ =	shalt  }
0x45: {  	_ =	shalt  }
0x46: {  	_ =	shalt  }
0x47: {  	_ =	shalt  }
0x48: {  	_ =	shalt  }
0x49: {  	_ =	shalt  }
0x4a: {  	_ =	shalt  }
0x4b: {  	_ =	shalt  }
0x4c: {  	_ =	shalt  }
0x4d: {  	_ =	shalt  }
0x4e: {  	_ =	shalt  }
0x4f: {  	_ =	shalt  }
0x50: {  	_ =	shalt  }
0x51: {  	_ =	shalt  }
0x52: {  	_ =	shalt  }
0x53: {  	_ =	shalt  }
0x54: {  	_ =	shalt  }
0x55: {  	_ =	shalt  }
0x56: {  	_ =	shalt  }
0x57: {  	_ =	shalt  }
0x58: {  	_ =	shalt  }
0x59: {  	_ =	shalt  }
0x5a: {  	_ =	shalt  }
0x5b: {  	_ =	shalt  }
0x5c: {  	_ =	shalt  }
0x5d: {  	_ =	shalt  }
0x5e: {  	_ =	shalt  }
0x5f: {  	_ =	shalt  }
0x60: {  	_ =	shalt  }
0x61: {  	_ =	shalt  }
0x62: {  	_ =	shalt  }
0x63: {  	_ =	shalt  }
0x64: {  	_ =	shalt  }
0x65: {  	_ =	shalt  }
0x66: {  	_ =	shalt  }
0x67: {  	_ =	shalt  }
0x68: {  	_ =	shalt  }
0x69: {  	_ =	shalt  }
0x6a: {  	_ =	shalt  }
0x6b: {  	_ =	shalt  }
0x6c: {  	_ =	shalt  }
0x6d: {  	_ =	shalt  }
0x6e: {  	_ =	shalt  }
0x6f: {  	_ =	shalt  }
0x70: {  	_ =	shalt  }
0x71: {  	_ =	shalt  }
0x72: {  	_ =	shalt  }
0x73: {  	_ =	shalt  }
0x74: {  	_ =	shalt  }
0x75: {  	_ =	shalt  }
0x76: {  	_ =	shalt  }
0x77: {  	_ =	shalt  }
0x78: {  	_ =	shalt  }
0x79: {  	_ =	shalt  }
0x7a: {  	_ =	shalt  }
0x7b: {  	_ =	shalt  }
0x7c: {  	_ =	shalt  }
0x7d: {  	_ =	shalt  }
0x7e: {  	_ =	shalt  }
0x7f: {  	_ =	shalt  }
0x80: {  	_ =	shalt  }
0x81: {  	_ =	shalt  }
0x82: {  	_ =	shalt  }
0x83: {  	_ =	shalt  }
0x84: {  	_ =	shalt  }
0x85: {  	_ =	shalt  }
0x86: {  	_ =	shalt  }
0x87: {  	_ =	shalt  }
.Lfunc_end0:
.L_simem_size_0:
called_computation_lowered:
.L_overlay_start_0:
0x88: {  	s2 =	sld [smem:$0x3FD9]  }
0x89: {  	s3 =	sld [smem:$0x3FFE];
	_ =	sdelay $0x1  }
0x8a: {  	s1 =	srdreg.scid  }
0x8b: {  	s0 =	sand.u32 $0x1, s1  }
0x8c: {  	s17 =	sshll.u32 s0, $0xA;
	s2 =	sadd.s32 s3, s2  }
0x8d: {  	s2 =	sadd.s32 s2, s17  }
0x8e: {  	[smem:$0x3FC2] =	sst s2  }
0x8f: {  	_ = 	snop  }
0x90: {  	s2 =	sld [smem:$0x3FD0];
	(tm) =	ssettm $0x1  }
0x91: {  	s18 =	sld [smem:$0x3FFB];
	_ =	sdelay $0x3  }
0x92: {  	_ =	strace s18  }
0x93: {  	s3 =	sld [smem:$0x3FFC];
	_ =	sdelay $0x3  }
0x94: {  	_ =	strace s3  }
0x95: {  	s3 =	sld [smem:$0x3FFD];
	_ =	sdelay $0x3  }
0x96: {  	_ =	strace s3  }
0x97: {  	_ =	strace $0x8FFFFFFF  }
0x98: {  	s19 =	sld [smem:$0x3FDB];
	_ =	sdelay $0x1  }
0x99: {  	s4 =	simm.s32 $_scs_section_size  }
0x9a: {  	s5 =	simm.s32 $_size__tile_overlayer_lowered;
	s6 =	simm.s32 $_tile_overlayer_lowered  }
0x9b: {  	s22 =	simm.s32 $0x1BFF;
	s21 =	sshll.u32 s6, $0x1;
	s3 =	sadd.s32 s4, s19  }
0x9c: {  	s7 =	simm.s32 $0x0;
	s20 =	sshll.u32 s5, $0x1;
	s5 =	sadd.s32 s21, s3  }
0x9d: {  	[timem:s7], [sflag:s22] =	dma.local [hbm:s5], s20  }
0x9e: {  	_ =	swait.ge [sflag:s22], s20  }
0x9f: {  	s4 =	ssub.s32 $0x0, s20;
	[sflag:s22] =	ssyncset.done $0x0  }
0xa0: {  	[sflag:s22] =	ssyncadd.s32 s4;
	_ =	sdelay $0x1  }
0xa1: {  	s23 =	simm.s32 $0x1B8B  }
0xa2: {  	_ =	swait.ge [sflag:s23], $0x1  }
0xa3: {  	[sflag:s23] =	ssyncset.done $0x0  }
0xa4: {  	s25 =	simm.s32 $0x1B8E;
	s24 =	sld [smem:$0x3FFE];
	[sflag:s23] =	ssyncadd.s32 $0xFFFFFFFF  }
0xa5: {  	s26 =	simm.s32 $execute0_lowered;
	[smem:$0x3FD2] =	sst s25  }
0xa6: {  	s5 =	sshll.u32 s26, $0x1;
	_ =	strace $0x80000046;
	[dreg:$0x1] =	wrdreg $0xFFFFFFFF  }
0xa7: {  	s28 =	simm.s32 $_size_execute0_lowered;
	s3 =	sadd.s32 s3, s5;
	[dreg:$0x0] =	wrdreg $0x0  }
0xa8: {  	s5 =	sshll.u32 s28, $0x1;
	[dreg:$0x2] =	wrdreg s3  }
0xa9: {  	[dreg:$0x3] =	wrdreg s5  }
0xaa: {  	[dreg:$0x4] =	wrdreg $0xC0  }
0xab: {  	_ =	task [dreg:s7], $0x5FFFF  }
0xac: {  	[dreg:$0x1] =	wrdreg $0xFFFFFFFF  }
0xad: {  	[dreg:$0x0] =	wrdreg $0x60  }
0xae: {  	[dreg:$0x2] =	wrdreg s24  }
0xaf: {  	[dreg:$0x3] =	wrdreg s2  }
0xb0: {  	[dreg:$0x4] =	wrdreg $0x40800  }
0xb1: {  	[dreg:$0x5] =	wrdreg $0x9  }
0xb2: {  	_ =	task.clear_ibuf [dreg:s7], $0x6FFFF;
	_ =	strace $0x90000046  }
0xb3: {  	s29 =	simm.s32 $0x9;
	_ =	strace $0x80000048  }
0xb4: {  	_ =	swait.ge [sflag:s29], $0x1  }
0xb5: {  	[sflag:s29] =	ssyncadd.s32 $0xFFFFFFFF  }
0xb6: {  	_ =	strace $0x90000048  }
0xb7: {  	_ =	sfence  }
0xb8: {  	s30 =	sld [smem:$0x0];
	_ =	sdelay $0x2  }
0xb9: {  	s31 =	sshll.u32 s1, $0xD;
	s1 =	sshrl.u32 s1, $0x2  }
0xba: {  	s3 =	sand.u32 $0x4000, s31;
	s1 =	sadd.s32 s1, s30  }
0xbb: {  	s0 =	sor.u32 s3, s0;
	s1 =	sshll.u32 s1, $0x11  }
0xbc: {  	s0 =	sor.u32 s1, s0  }
0xbd: {  	s0 =	sadd.s32 $0x8F2B, s0  }
0xbe: {  	[sflag:s0] =	ssyncadd.remote.s32 $0x1  }
0xbf: {  	_ =	sfence.sel $0xFFFF  }
0xc0: {  	[dreg:$0x0] =	wrdreg $0xFFFFFFFF;
	(pc) =	sbr.abs _section_cstart, $3  }
0xc1: {  	[dreg:$0x1] =	wrdreg $0xFFFFFFFF  }
0xc2: {  	_ =	task.clear_ibuf [dreg:s7], $0x2FFFF;
	_ =	strace $0x9FFFFFFF  }
0xc3: {  	(tm) =	ssettm $0x7FFFFFFF  }
tec
execute0_lowered:
.L_overlay_start_1:
0x0: {  	(tag) =	ssettag $0x1  }
0x1: {  	s5 =	rddreg [dreg:$0x0]  }
0x2: {  	s8 =	rddreg [dreg:$0x1]  }
0x3: {  	s2 =	rddreg [dreg:$0x2]  }
0x4: {  	s0 =	rddreg [dreg:$0x3];
	s3 =	simm.s32 $0x0  }
0x5: {  	s1 =	stileid.u32;
	s4 =	srdreg.scid;
	s14 =	simm.s32 $0x3  }
0x6: {  	s15 =	simm.s32 $0x1;
	s16 =	simm.s32 $0x2;
	s17 =	simm.s32 $0x20  }
0x7: {  	s18 =	simm.s32 $0x10;
	s19 =	simm.s32 $0x0;
	[smem:$0x7FF] =	sst s3  }
0x8: {  	s6 =	sshll.u32 s1, $0xB;
	s7 =	sand.u32 $0x1, s4;
	s10 =	smul.u32 $0xA00, s1  }
0x9: {  	s4 =	sadd.s32 $0x12800, s5;
	s31 =	smul.u32 $0x500, s1;
	s13 =	sshll.u32 s1, $0x6  }
0xa: {  	_ =	strace $0x80000047;
	s6 =	sadd.s32 s6, s5;
	s9 =	ssub.s32 $0x2, s7  }
0xb: {  	s5 =	sadd.s32 $0x12A00, s5;
	s12 =	sshll.u32 s7, $0xF;
	s7 =	sshll.u32 s7, $0x7  }
0xc: {  	s11 =	sshrl.u32 s9, $0x1;
	s10 =	sshrl.u32 s10, $0x2;
	s12 =	sadd.s32 s12, s6  }
0xd: {  	s6 =	sor.u32 $0x1C04, s13;
	s13 =	simm.s32 $0x50;
	s9 =	ssub.s32 s9, s11  }
0xe: {  	s10 =	sadd.s32 s10, s2;
	s11 =	sor.u32 s7, s31;
	s7 =	sadd.s32 $0x2800, s12  }
0xf: {  	s12 =	simm.s32 $0x4000;
	s11 =	sshrl.u32 s11, $0x3;
	s9 =	smax.u32 s9, $0x1  }
0x10: {  	s10 =	sshrl.u32 s10, $0x3;
	s8 =	sadd.s32 s8, s11;
	s11 =	simm.s32 $0x4  }
.LBB2_1:
0x11: {  	[spmem:s10], [sflag:s6] =	dma.local [hbm:s5], $0x50  }
0x12: {  	_ =	swait.ge [sflag:s11], $0x50  }
0x13: {  	p0 =	por $0x1, $0x1;
	[sflag:s11] =	ssyncset.done $0x0  }
0x14: {  	s20 =	smul.u32 @!p0 $0xAB, s3;
	[sflag:s11] =	ssyncadd.s32 $0xFFFFFFB0  }
0x15: {  	[tilespmem:s12], [sflag:$0x4] =	stream.linear.gather [hbm4b:s4+s3], $0x80, $0x38;
	[tilespmem:$0x4300] =	vst v63  }
0x16: {  	s20 =	sshrl.u32 @!p0 s20, $0x9;
	_ =	swait.ge [sflag:s11], $0x80  }
0x17: {  	s20 =	sand.u32 @!p0 $0x7F, s20;
	[sflag:s11] =	ssyncset.done $0x0  }
0x18: {  	s20 =	smul.u32 @!p0 $0x3, s20;
	[sflag:s11] =	ssyncadd.s32 $0xFFFFFF80  }
0x19: {  	[tilespmem:s3], [sflag:$0x4] =	stream.linear.gather [hbm4b:s7+s3], $0x3E80, $0x38;
	[tilespmem:$0x4300] =	vst v63  }
0x1a: {  	p1 =	por p0, p0;
	p0 =	por $0x1, $0x1;
	_ =	swait.ge [sflag:s11], $0x3E80  }
0x1b: {  	s21 =	ssub.s32 @!p1 $0x0, s20;
	s20 =	simm.s32 $0x1;
	[sflag:s11] =	ssyncset.done $0x0  }
0x1c: {  	s21 =	sand.u32 @!p1 $0xFF, s21;
	s23 =	smul.u32 @!p0 $0xAB, s20;
	[sflag:s11] =	ssyncadd.s32 $0xFFFFC180  }
0x1d: {  	s22 =	simm.s32 $0x2;
	s24 =	sadd.s32 @!p1 $0x1, s21;
	[bflag:$0x0] =	sbarrier.arrive $0xFFFF  }
0x1e: {  	s21 =	smov.u32 @p1 s3;
	s23 =	sshrl.u32 @!p0 s23, $0x9;
	_ =	swait.ge @!p1 [sflag:s24], $0x50  }
0x1f: {  	s25 =	sand.u32 @!p0 $0x7F, s23;
	s23 =	simm.s32 $0x0;
	[sflag:s24] =	ssyncset.done @!p1 $0x0  }
0x20: {  	[sflag:s24] =	ssyncadd.s32 @!p1 $0xFFFFFFB0;
	s24 =	sadd.s32 $0x1, s21;
	s21 =	simm.s32 $0x0  }
.LBB2_2:
0x21: {  	s25 =	smul.u32 @!p0 $0x3, s25;
	s21 =	sadd.s32 $0x80, s21  }
0x22: {  	s26 =	smov.u32 s22;
	s22 =	sadd.s32 $0x1, s22;
	p1 =	por p0, p0  }
0x23: {  	[spmem:s2] =	stream.indirect.scatter.add.f32 [tilespmem:s12], [sflag:s24], $0x1, s23, s13, $0xb8;
	[tilespmem:$0x4300] =	vst v63  }
0x24: {  	p2 =	sne.s32 s22, $0x7D;
	s23 =	smov.u32 s21;
	s24 =	ssub.s32 @!p1 s20, s25  }
.Ltmp0:
0x25: {  	p0 =	slt.u32 s26, $0x3;
	s24 =	sand.u32 @!p1 $0xFF, s24;
	(pc) =	sbr.rel @p2 .LBB2_2-.Ltmp0, $4  }
0x26: {  	s25 =	smul.u32 @!p0 $0xAB, s26;
	s28 =	sadd.s32 @!p1 $0x1, s24;
	s24 =	smov.u32 @p1 s20  }
0x27: {  	s20 =	smov.u32 s26;
	_ =	swait.ge @!p1 [sflag:s28], $0x50  }
0x28: {  	s25 =	sshrl.u32 @!p0 s25, $0x9;
	[sflag:s28] =	ssyncset.done @!p1 $0x0  }
0x29: {  	s25 =	sand.u32 @!p0 $0x7F, s25;
	s24 =	sadd.s32 $0x1, s24;
	[sflag:s28] =	ssyncadd.s32 @!p1 $0xFFFFFFB0  }
0x2a: {  	s22 =	smul.u32 @!p0 $0x3, s25;
	p0 =	por p0, p0  }
0x2b: {  	[spmem:s2] =	stream.indirect.scatter.add.f32 [tilespmem:s12], [sflag:s24], $0x1, s23, s13, $0xb8;
	[tilespmem:$0x4300] =	vst v63  }
0x2c: {  	s22 =	ssub.s32 @!p0 s20, s22  }
0x2d: {  	s22 =	sand.u32 @!p0 $0xFF, s22  }
0x2e: {  	s23 =	sadd.s32 @!p0 $0x1, s22  }
0x2f: {  	_ =	swait.ge @!p0 [sflag:s23], $0x50  }
0x30: {  	s22 =	smov.u32 @p0 s20;
	[sflag:s23] =	ssyncset.done @!p0 $0x0  }
0x31: {  	s30 =	sadd.s32 $0x80, s21;
	s31 =	sadd.s32 $0x1, s22;
	[sflag:s23] =	ssyncadd.s32 @!p0 $0xFFFFFFB0  }
0x32: {  	[spmem:s2] =	stream.indirect.scatter.add.f32 [tilespmem:s12], [sflag:s31], $0x1, s30, s13, $0xb8;
	[tilespmem:$0x4300] =	vst v63  }
0x33: {  	_ =	swait.ge [sflag:s14], $0x50  }
0x34: {  	[sflag:s14] =	ssyncset.done $0x0  }
0x35: {  	[sflag:s14] =	ssyncadd.s32 $0xFFFFFFB0  }
0x36: {  	_ =	swait.ge [sflag:s15], $0x50  }
0x37: {  	[sflag:s15] =	ssyncset.done $0x0  }
0x38: {  	[sflag:s15] =	ssyncadd.s32 $0xFFFFFFB0  }
0x39: {  	_ =	swait.ge [sflag:s16], $0x50  }
0x3a: {  	s19 =	sadd.s32 $0x1, s19;
	[sflag:s16] =	ssyncset.done $0x0  }
0x3b: {  	p0 =	sne.s32 s19, s9;
	[sflag:s16] =	ssyncadd.s32 $0xFFFFFFB0  }
.Ltmp1:
0x3c: {  	[bflag:$0x0] =	sbarrier.arrive $0xFFFF;
	(pc) =	sbr.rel @p0 .LBB2_1-.Ltmp1, $4  }
0x3d: {  	[hbm:s8@s17], [sflag:s6] =	dma.strided [spmem:s10@s18], $0x50, s15, $0x10   }
0x3e: {  	_ =	swait.ge [sflag:s11], $0x50  }
0x3f: {  	[sflag:s11] =	ssyncset.done $0x0  }
0x40: {  	[sflag:s11] =	ssyncadd.s32 $0xFFFFFFB0  }
0x41: {  	_ =	sfence.sel $0x180000  }
0x42: {  	[bflag:$0x0] =	sbarrier.arrive $0xFFFF  }
0x43: {  	p0 =	sne.s32 s1, $0x0;
	_ =	strace $0x90000047  }
0x44: {  	s0 =	sadd.s32 @!p0 $0x100000, s0;
	[bflag:$0x2] =	sbarrier.arrive $0xFFFF  }
0x45: {  	[sflag:s0] =	ssyncadd.tile.s32 @!p0 $0x1;
	_ =	shalt  }
.Lfunc_end2:
_tile_overlayer_lowered:
.L_overlay_start_2:
0x46: {  	(tag) =	ssettag $0x2  }
0x47: {  	s0 =	rddreg [dreg:$0x0];
	s2 =	stileid.u32  }
0x48: {  	s1 =	rddreg [dreg:$0x1];
	p0 =	sne.s32 s2, $0x0  }
0x49: {  	s3 =	rddreg [dreg:$0x2];
	[bflag:$0x3] =	sbarrier.arrive $0xFFFF;
	s2 =	simm.s32 @!p0 $0x1C04  }
0x4a: {  	[timem:s3], [sflag:s2] =	dma.local @!p0 [hbm:s0], s1  }
0x4b: {  	s0 =	simm.s32 @!p0 $0x4  }
0x4c: {  	_ =	swait.ge @!p0 [sflag:s0], s1  }
0x4d: {  	s1 =	ssub.s32 @!p0 $0x0, s1;
	[sflag:s0] =	ssyncset.done @!p0 $0x0  }
0x4e: {  	[sflag:s0] =	ssyncadd.s32 @!p0 s1  }
0x4f: {  	[bflag:$0x3] =	sbarrier.arrive $0xFFFF  }
0x50: {  	_ =	shalt  }

</sc_bundles>
